<compile_context>
chip_gen: v7x
topology: tpu7x:2x2x1
jax: 0.10.2.dev20260603
libtpu: 0.0.44.dev20260713+nightly
codegen_flags: <defaults>
</compile_context>

<pallas_src>
import functools

import jax
import jax.numpy as jnp
from jax import lax
from jax.experimental import pallas as pl
from jax.experimental.pallas import tpu as pltpu, tpu_sc as plsc

N_NODES = 10000
N_EDGES = 160000
D_NODE = 256
D_EDGE = 64
HIDDEN = 256
N_EXPERTS = 3

SC_CORES = 2
SC_SUBCORES = 16
SC_WORKERS = SC_CORES * SC_SUBCORES

CHUNK = 128
NSLAB = 1
CHUNKS_PER_TILE = 40
SLAB = SC_WORKERS * CHUNKS_PER_TILE * CHUNK
E_PAD = NSLAB * SLAB
EDGES_PER_TILE = CHUNKS_PER_TILE * CHUNK
BE = 1280
NODE_BLK = 200


def _gelu_exact(x):
    return 0.5 * x * (1.0 + lax.erf(x * 0.7071067811865476))


HALF = HIDDEN // 2


def _pack_bf16_pair(lo_f32, hi_f32):
    def rne_bits(y):
        b = lax.bitcast_convert_type(y, jnp.int32)
        return b + jnp.int32(0x7FFF) + ((b >> 16) & jnp.int32(1))

    lo16 = (rne_bits(lo_f32) >> 16) & jnp.int32(0xFFFF)
    hi16 = rne_bits(hi_f32) & jnp.int32(-65536)
    return hi16 | lo16


def _unpack_bf16_pair(w):
    lo = lax.bitcast_convert_type(w << 16, jnp.float32)
    hi = lax.bitcast_convert_type(w & jnp.int32(-65536), jnp.float32)
    return lo, hi


def _proj_body(n_ref, w_ref, o_ref):
    y = jnp.dot(n_ref[...], w_ref[0], preferred_element_type=jnp.float32)
    o_ref[...] = _pack_bf16_pair(y[:, :HALF], y[:, HALF:])[None]


def _project_nodes(node_embed, w_stacked):
    return pl.pallas_call(
        _proj_body,
        grid=(2 * N_EXPERTS, N_NODES // NODE_BLK),
        in_specs=[
            pl.BlockSpec((NODE_BLK, D_NODE), lambda j, i: (i, 0)),
            pl.BlockSpec((1, D_NODE, HIDDEN), lambda j, i: (j, 0, 0)),
        ],
        out_specs=pl.BlockSpec((1, NODE_BLK, HALF), lambda j, i: (j, i, 0)),
        out_shape=jax.ShapeDtypeStruct((2 * N_EXPERTS, N_NODES, HALF),
                                       jnp.int32),
    )(node_embed, w_stacked)


def _sc_gather_body(slab_base, table_hbm, src_hbm, dst_hbm, type_hbm,
                    hs_hbm, hd_hbm,
                    srcb, dstb, typeb, idxs, idxd,
                    rows_s0, rows_d0, rows_s1, rows_d1,
                    sem_s0, sem_d0, sem_s1, sem_d1):
    wid = lax.axis_index("s") * SC_CORES + lax.axis_index("c")
    tile_base = slab_base + wid * EDGES_PER_TILE
    out_base = wid * EDGES_PER_TILE

    pltpu.sync_copy(src_hbm.at[pl.ds(tile_base, EDGES_PER_TILE)], srcb)
    pltpu.sync_copy(dst_hbm.at[pl.ds(tile_base, EDGES_PER_TILE)], dstb)
    pltpu.sync_copy(type_hbm.at[pl.ds(tile_base, EDGES_PER_TILE)], typeb)

    def idx_body(i, carry):
        sl = pl.ds(i * 16, 16)
        t16 = typeb[sl] * N_NODES
        idxs[sl] = t16 + srcb[sl]
        idxd[sl] = t16 + dstb[sl] + N_EXPERTS * N_NODES
        return carry

    lax.fori_loop(0, EDGES_PER_TILE // 16, idx_body, 0)

    zeros16 = jnp.zeros((16,), jnp.int32)
    for i in range(CHUNK // 16):
        idxs[pl.ds(EDGES_PER_TILE + i * 16, 16)] = zeros16
        idxd[pl.ds(EDGES_PER_TILE + i * 16, 16)] = zeros16

    def gather(c, rs, rd, ss, sd):
        csl = pl.ds(c * CHUNK, CHUNK)
        pltpu.async_copy(table_hbm.at[idxs.at[csl]], rs, ss)
        pltpu.async_copy(table_hbm.at[idxd.at[csl]], rd, sd)

    gather(0, rows_s0, rows_d0, sem_s0, sem_d0)

    def pair_body(p, carry):
        c0 = 2 * p
        gather(c0 + 1, rows_s1, rows_d1, sem_s1, sem_d1)
        pltpu.make_async_copy(table_hbm.at[pl.ds(0, CHUNK)], rows_s0, sem_s0).wait()
        pltpu.make_async_copy(table_hbm.at[pl.ds(0, CHUNK)], rows_d0, sem_d0).wait()
        base0 = out_base + c0 * CHUNK
        pltpu.sync_copy(rows_s0, hs_hbm.at[pl.ds(base0, CHUNK)])
        pltpu.sync_copy(rows_d0, hd_hbm.at[pl.ds(base0, CHUNK)])
        gather(c0 + 2, rows_s0, rows_d0, sem_s0, sem_d0)
        pltpu.make_async_copy(table_hbm.at[pl.ds(0, CHUNK)], rows_s1, sem_s1).wait()
        pltpu.make_async_copy(table_hbm.at[pl.ds(0, CHUNK)], rows_d1, sem_d1).wait()
        base1 = base0 + CHUNK
        pltpu.sync_copy(rows_s1, hs_hbm.at[pl.ds(base1, CHUNK)])
        pltpu.sync_copy(rows_d1, hd_hbm.at[pl.ds(base1, CHUNK)])
        return carry

    lax.fori_loop(0, CHUNKS_PER_TILE // 2, pair_body, 0)

    pltpu.make_async_copy(table_hbm.at[pl.ds(0, CHUNK)], rows_s0, sem_s0).wait()
    pltpu.make_async_copy(table_hbm.at[pl.ds(0, CHUNK)], rows_d0, sem_d0).wait()


def _sc_gather(table, src, dst, etype, slab_base):
    mesh = plsc.VectorSubcoreMesh(core_axis_name="c", subcore_axis_name="s")
    kern = pl.kernel(
        functools.partial(_sc_gather_body, slab_base),
        out_type=(
            jax.ShapeDtypeStruct((SLAB, HALF), jnp.int32),
            jax.ShapeDtypeStruct((SLAB, HALF), jnp.int32),
        ),
        mesh=mesh,
        scratch_types=[
            pltpu.VMEM((EDGES_PER_TILE,), jnp.int32),
            pltpu.VMEM((EDGES_PER_TILE,), jnp.int32),
            pltpu.VMEM((EDGES_PER_TILE,), jnp.int32),
            pltpu.VMEM((EDGES_PER_TILE + CHUNK,), jnp.int32),
            pltpu.VMEM((EDGES_PER_TILE + CHUNK,), jnp.int32),
            pltpu.VMEM((CHUNK, HALF), jnp.int32),
            pltpu.VMEM((CHUNK, HALF), jnp.int32),
            pltpu.VMEM((CHUNK, HALF), jnp.int32),
            pltpu.VMEM((CHUNK, HALF), jnp.int32),
            pltpu.SemaphoreType.DMA,
            pltpu.SemaphoreType.DMA,
            pltpu.SemaphoreType.DMA,
            pltpu.SemaphoreType.DMA,
        ],
    )
    return kern(table, src, dst, etype)


def _edge_body(hs_ref, hd_ref, es_ref, t_ref, bz_ref,
               w1c_ref, b1_ref, w2_ref, b2_ref, w3_ref, b3_ref,
               dz_ref, rho_ref):
    t = t_ref[...]
    hs_lo, hs_hi = _unpack_bf16_pair(hs_ref[...])
    hd_lo, hd_hi = _unpack_bf16_pair(hd_ref[...])
    hsum_lo = hs_lo + hd_lo
    hsum_hi = hs_hi + hd_hi

    def sel(parts):
        acc = jnp.where(t == 0.0, parts[0], 0.0)
        for e in range(1, N_EXPERTS):
            acc = acc + jnp.where(t == float(e), parts[e], 0.0)
        return acc

    pe = jnp.dot(es_ref[...], w1c_ref[...], preferred_element_type=jnp.float32)
    pe1 = sel([pe[:, e * HIDDEN:(e + 1) * HIDDEN] + b1_ref[e][None, :]
               for e in range(N_EXPERTS)])
    h1_lo = _gelu_exact(hsum_lo + pe1[:, :HALF]).astype(jnp.bfloat16)
    h1_hi = _gelu_exact(hsum_hi + pe1[:, HALF:]).astype(jnp.bfloat16)

    y = (jnp.dot(h1_lo, w2_ref[:HALF], preferred_element_type=jnp.float32) +
         jnp.dot(h1_hi, w2_ref[HALF:], preferred_element_type=jnp.float32))
    y1 = sel([y[:, e * HIDDEN:(e + 1) * HIDDEN] + b2_ref[e][None, :]
              for e in range(N_EXPERTS)])
    g = _gelu_exact(y1)

    z3 = jnp.dot(g, w3_ref[...], preferred_element_type=jnp.float32)
    delta = sel([z3[:, e:e + 1] + b3_ref[e, 0] for e in range(N_EXPERTS)])

    dz_ref[...] = delta
    rho_ref[...] = jnp.tanh(bz_ref[...] + delta)


def _edge_mlp(n_edges, blk0, hs, hd, edge_state, t3, bz3,
              w1c, b1, w2, b2, w3c, b3):
    full = lambda s: pl.BlockSpec(s, lambda i: tuple(0 for _ in s))
    return pl.pallas_call(
        _edge_body,
        grid=(n_edges // BE,),
        in_specs=[
            pl.BlockSpec((BE, HALF), lambda i: (i, 0)),
            pl.BlockSpec((BE, HALF), lambda i: (i, 0)),
            pl.BlockSpec((BE, D_EDGE), lambda i: (i + blk0, 0)),
            pl.BlockSpec((BE, 1), lambda i: (i + blk0, 0)),
            pl.BlockSpec((BE, 1), lambda i: (i + blk0, 0)),
            full((D_EDGE, N_EXPERTS * HIDDEN)),
            full((N_EXPERTS, HIDDEN)),
            full((HIDDEN, N_EXPERTS * HIDDEN)),
            full((N_EXPERTS, HIDDEN)),
            full((HIDDEN, N_EXPERTS)),
            full((N_EXPERTS, 1)),
        ],
        out_specs=[
            pl.BlockSpec((BE, 1), lambda i: (i, 0)),
            pl.BlockSpec((BE, 1), lambda i: (i, 0)),
        ],
        out_shape=[
            jax.ShapeDtypeStruct((n_edges, 1), jnp.float32),
            jax.ShapeDtypeStruct((n_edges, 1), jnp.float32),
        ],
    )(hs, hd, edge_state, t3, bz3, w1c, b1, w2, b2, w3c, b3)


def kernel(node_embed, edge_state, edge_index, edge_type, baseline_z,
           W1, b1, W2, b2, W3, b3):
    pad = (0, E_PAD - N_EDGES)
    src = jnp.pad(edge_index[0].astype(jnp.int32), pad)
    dst = jnp.pad(edge_index[1].astype(jnp.int32), pad)
    etype = edge_type.astype(jnp.int32)
    etype_p = jnp.pad(etype, pad)

    w_stacked = jnp.concatenate([W1[:, :D_NODE, :], W1[:, D_NODE:2 * D_NODE, :]],
                                axis=0)
    table = _project_nodes(node_embed.astype(jnp.bfloat16),
                           w_stacked.astype(jnp.bfloat16)).reshape(
        2 * N_EXPERTS * N_NODES, HALF)

    w1c = W1[:, 2 * D_NODE:, :].transpose(1, 0, 2).reshape(
        D_EDGE, N_EXPERTS * HIDDEN).astype(jnp.bfloat16)
    w2c = W2.transpose(1, 0, 2).reshape(
        HIDDEN, N_EXPERTS * HIDDEN).astype(jnp.bfloat16)
    w3c = W3[:, :, 0].T
    t3 = etype.astype(jnp.float32).reshape(N_EDGES, 1)
    bz3 = baseline_z.reshape(N_EDGES, 1)

    dz_parts, rho_parts = [], []
    for s in range(NSLAB):
        lo = s * SLAB
        n = min(SLAB, N_EDGES - lo)
        hs, hd = _sc_gather(table, src, dst, etype_p, lo)
        dz_s, rho_s = _edge_mlp(n, lo // BE, hs, hd,
                                edge_state.astype(jnp.bfloat16), t3, bz3,
                                w1c, b1, w2c, b2, w3c, b3)
        dz_parts.append(dz_s)
        rho_parts.append(rho_s)

    dz3 = jnp.concatenate(dz_parts, axis=0)
    rho3 = jnp.concatenate(rho_parts, axis=0)
    return dz3.reshape(N_EDGES), rho3.reshape(N_EDGES)

# --- scband reference (transcript-rebuilt; emitter-appended) ---
"""Pipeline reference for scband-expert-prediction-heads-89094801588572 (READ-ONLY COPY).

The authoritative reference and input builder live on the scoring server;
editing this copy changes nothing except your own understanding.
"""

import jax, jax.numpy as jnp
import numpy as np

N_NODES = 10000
N_EDGES = 160000
D_NODE = 256
D_EDGE = 64
HIDDEN = 256
N_EXPERTS = 3
INPUT_DIM = 2 * D_NODE + D_EDGE


def _xavier(key, shape):
    fan_in, fan_out = shape[-2], shape[-1]
    limit = jnp.sqrt(6.0 / (fan_in + fan_out))
    return jax.random.uniform(key, shape, minval=-limit, maxval=limit, dtype=jnp.float32)


def setup_inputs(seed: int = 0) -> dict:
    key = jax.random.key(seed)
    ks = jax.random.split(key, 12)
    node_embed = jax.random.normal(ks[0], (N_NODES, D_NODE), dtype=jnp.float32)
    edge_state = jax.random.normal(ks[1], (N_EDGES, D_EDGE), dtype=jnp.float32)
    edge_index = jax.random.randint(ks[2], (2, N_EDGES), 0, N_NODES, dtype=jnp.int64)
    edge_type = jax.random.randint(ks[3], (N_EDGES,), 0, N_EXPERTS, dtype=jnp.int64)
    baseline_z = jax.random.normal(ks[4], (N_EDGES,), dtype=jnp.float32)
    W1 = _xavier(ks[5], (N_EXPERTS, INPUT_DIM, HIDDEN))
    b1 = jnp.zeros((N_EXPERTS, HIDDEN), dtype=jnp.float32)
    W2 = _xavier(ks[6], (N_EXPERTS, HIDDEN, HIDDEN))
    b2 = jnp.zeros((N_EXPERTS, HIDDEN), dtype=jnp.float32)
    W3 = _xavier(ks[7], (N_EXPERTS, HIDDEN, 1))
    b3 = jnp.zeros((N_EXPERTS, 1), dtype=jnp.float32)
    return {"node_embed": node_embed, "edge_state": edge_state, "edge_index": edge_index,
            "edge_type": edge_type, "baseline_z": baseline_z,
            "W1": W1, "b1": b1, "W2": W2, "b2": b2, "W3": W3, "b3": b3}


def reference(node_embed, edge_state, edge_index, edge_type, baseline_z, W1, b1, W2, b2, W3, b3):
    src = edge_index[0]
    dst = edge_index[1]
    # gather endpoint embeddings and build per-edge features
    u_edge = jnp.concatenate([jnp.take(node_embed, src, axis=0),
                              jnp.take(node_embed, dst, axis=0),
                              edge_state], axis=-1)  # (E, INPUT_DIM)

    def expert(e):
        h = jax.nn.gelu(u_edge @ W1[e] + b1[e], approximate=False)
        h = jax.nn.gelu(h @ W2[e] + b2[e], approximate=False)
        return (h @ W3[e] + b3[e])[:, 0]  # (E,)

    outs = jnp.stack([expert(e) for e in range(N_EXPERTS)], axis=0)  # (n_experts, E)
    # route each edge to its expert output (equivalent to masked scatter in torch code)
    delta_z_pred = jnp.take_along_axis(outs, edge_type[None, :], axis=0)[0]
    z_pred = baseline_z + delta_z_pred
    rho_pred = jnp.tanh(z_pred)
    return (delta_z_pred, rho_pred)

if __name__ == "__main__":
    import jax
    _d = setup_inputs()
    print(jax.jit(kernel)(*tuple(_d.values())))

</pallas_src>

<mosaic_0001>
#map = affine_map<(d0, d1) -> (0, 0)>
#map1 = affine_map<(d0, d1) -> (0)>
module attributes {stable_mosaic.version = 14 : i64} {
  func.func @_sc_gather_body(%arg0: i32, %arg1: i32, %arg2: memref<60000x128xi32, #tpu.memory_space<hbm>>, %arg3: memref<163840xi32, #tpu.memory_space<hbm>>, %arg4: memref<163840xi32, #tpu.memory_space<hbm>>, %arg5: memref<163840xi32, #tpu.memory_space<hbm>>, %arg6: memref<163840x128xi32, #tpu.memory_space<hbm>>, %arg7: memref<163840x128xi32, #tpu.memory_space<hbm>>, %arg8: memref<5120xi32, #tpu.memory_space<vmem>>, %arg9: memref<5120xi32, #tpu.memory_space<vmem>>, %arg10: memref<5120xi32, #tpu.memory_space<vmem>>, %arg11: memref<5248xi32, #tpu.memory_space<vmem>>, %arg12: memref<5248xi32, #tpu.memory_space<vmem>>, %arg13: memref<128x128xi32, #tpu.memory_space<vmem>>, %arg14: memref<128x128xi32, #tpu.memory_space<vmem>>, %arg15: memref<128x128xi32, #tpu.memory_space<vmem>>, %arg16: memref<128x128xi32, #tpu.memory_space<vmem>>, %arg17: memref<!tpu.dma_semaphore, #tpu.memory_space<semaphore_mem>>, %arg18: memref<!tpu.dma_semaphore, #tpu.memory_space<semaphore_mem>>, %arg19: memref<!tpu.dma_semaphore, #tpu.memory_space<semaphore_mem>>, %arg20: memref<!tpu.dma_semaphore, #tpu.memory_space<semaphore_mem>>) attributes {dimension_semantics = [#tpu.dimension_semantics<core_parallel>, #tpu.dimension_semantics<subcore_parallel>], iteration_bounds = array<i64: 2, 16>, scalar_prefetch = 0 : i64, scratch_operands = 13 : i64, tpu.core_type = #tpu.core_type<sc_vector_subcore>, window_params = [{transform_indices = #map}, {transform_indices = #map1}, {transform_indices = #map1}, {transform_indices = #map1}, {transform_indices = #map}, {transform_indices = #map}]} {
    %mul3A = arith.constant 2 : i32
    %mul3A_0 = arith.muli %arg1, %mul3A : i32
    %add3A = arith.addi %mul3A_0, %arg0 : i32
    %mul3A_1 = arith.constant 5120 : i32
    %mul3A_2 = arith.muli %add3A, %mul3A_1 : i32
    %add3A_3 = arith.constant 0 : i32
    %add3A_4 = arith.addi %add3A_3, %mul3A_2 : i32
    %mul3A_5 = arith.constant 5120 : i32
    %mul3A_6 = arith.muli %add3A, %mul3A_5 : i32
    "tpu.region"() ({
      %run_scoped3A = tpu.sem_alloc : memref<!tpu.dma_semaphore, #tpu.memory_space<semaphore_mem>>
      %dma_start3A_102 = tpu.memref_slice %arg3[%add3A_4] : memref<163840xi32, #tpu.memory_space<hbm>> -> memref<5120xi32, #tpu.memory_space<hbm>>
      %dma_start3A_103 = tpu.memref_slice %arg3[%add3A_4] : memref<163840xi32, #tpu.memory_space<hbm>> -> memref<5120xi32, #tpu.memory_space<hbm>>
      tpu.enqueue_dma source(%dma_start3A_103 : memref<5120xi32, #tpu.memory_space<hbm>>) target(%arg8 : memref<5120xi32, #tpu.memory_space<vmem>>) target_semaphore(%run_scoped3A : memref<!tpu.dma_semaphore, #tpu.memory_space<semaphore_mem>>)
      %dma_wait3A_104 = tpu.memref_slice %arg3[%add3A_4] : memref<163840xi32, #tpu.memory_space<hbm>> -> memref<5120xi32, #tpu.memory_space<hbm>>
      %dma_wait3A_105 = tpu.memref_slice %arg3[%add3A_4] : memref<163840xi32, #tpu.memory_space<hbm>> -> memref<5120xi32, #tpu.memory_space<hbm>>
      tpu.wait_dma2 semaphore(%run_scoped3A : memref<!tpu.dma_semaphore, #tpu.memory_space<semaphore_mem>>) src(%dma_wait3A_105 : memref<5120xi32, #tpu.memory_space<hbm>>) dst(%arg8 : memref<5120xi32, #tpu.memory_space<vmem>>)
      tpu.yield
    }) : () -> ()
    "tpu.region"() ({
      %run_scoped3A = tpu.sem_alloc : memref<!tpu.dma_semaphore, #tpu.memory_space<semaphore_mem>>
      %dma_start3A_102 = tpu.memref_slice %arg4[%add3A_4] : memref<163840xi32, #tpu.memory_space<hbm>> -> memref<5120xi32, #tpu.memory_space<hbm>>
      %dma_start3A_103 = tpu.memref_slice %arg4[%add3A_4] : memref<163840xi32, #tpu.memory_space<hbm>> -> memref<5120xi32, #tpu.memory_space<hbm>>
      tpu.enqueue_dma source(%dma_start3A_103 : memref<5120xi32, #tpu.memory_space<hbm>>) target(%arg9 : memref<5120xi32, #tpu.memory_space<vmem>>) target_semaphore(%run_scoped3A : memref<!tpu.dma_semaphore, #tpu.memory_space<semaphore_mem>>)
      %dma_wait3A_104 = tpu.memref_slice %arg4[%add3A_4] : memref<163840xi32, #tpu.memory_space<hbm>> -> memref<5120xi32, #tpu.memory_space<hbm>>
      %dma_wait3A_105 = tpu.memref_slice %arg4[%add3A_4] : memref<163840xi32, #tpu.memory_space<hbm>> -> memref<5120xi32, #tpu.memory_space<hbm>>
      tpu.wait_dma2 semaphore(%run_scoped3A : memref<!tpu.dma_semaphore, #tpu.memory_space<semaphore_mem>>) src(%dma_wait3A_105 : memref<5120xi32, #tpu.memory_space<hbm>>) dst(%arg9 : memref<5120xi32, #tpu.memory_space<vmem>>)
      tpu.yield
    }) : () -> ()
    "tpu.region"() ({
      %run_scoped3A = tpu.sem_alloc : memref<!tpu.dma_semaphore, #tpu.memory_space<semaphore_mem>>
      %dma_start3A_102 = tpu.memref_slice %arg5[%add3A_4] : memref<163840xi32, #tpu.memory_space<hbm>> -> memref<5120xi32, #tpu.memory_space<hbm>>
      %dma_start3A_103 = tpu.memref_slice %arg5[%add3A_4] : memref<163840xi32, #tpu.memory_space<hbm>> -> memref<5120xi32, #tpu.memory_space<hbm>>
      tpu.enqueue_dma source(%dma_start3A_103 : memref<5120xi32, #tpu.memory_space<hbm>>) target(%arg10 : memref<5120xi32, #tpu.memory_space<vmem>>) target_semaphore(%run_scoped3A : memref<!tpu.dma_semaphore, #tpu.memory_space<semaphore_mem>>)
      %dma_wait3A_104 = tpu.memref_slice %arg5[%add3A_4] : memref<163840xi32, #tpu.memory_space<hbm>> -> memref<5120xi32, #tpu.memory_space<hbm>>
      %dma_wait3A_105 = tpu.memref_slice %arg5[%add3A_4] : memref<163840xi32, #tpu.memory_space<hbm>> -> memref<5120xi32, #tpu.memory_space<hbm>>
      tpu.wait_dma2 semaphore(%run_scoped3A : memref<!tpu.dma_semaphore, #tpu.memory_space<semaphore_mem>>) src(%dma_wait3A_105 : memref<5120xi32, #tpu.memory_space<hbm>>) dst(%arg10 : memref<5120xi32, #tpu.memory_space<vmem>>)
      tpu.yield
    }) : () -> ()
    %scan3A = arith.constant 0 : i32
    %scan3A_7 = arith.constant 0 : i32
    %scan3A_8 = arith.constant 320 : i32
    %scan3A_9 = arith.addi %scan3A_7, %scan3A_8 : i32
    %scan3A_10 = arith.constant 1 : i32
    scf.for %scan3A_102 = %scan3A_7 to %scan3A_9 step %scan3A_10  : i32 {
      %mul3A_103 = arith.constant 16 : i32
      %mul3A_104 = arith.muli %scan3A_102, %mul3A_103 : i32
      %get3A = arith.index_cast %mul3A_104 : i32 to index
      %get3A_105 = tpu.vector_load %arg10[%get3A] {strides = array<i32>} : memref<5120xi32, #tpu.memory_space<vmem>>, vector<16xi32>,
      %get3A_106 = vector.shape_cast %get3A_105 : vector<16xi32> to vector<16xi32>
      %mul3A_107 = arith.constant 10000 : i32
      %mul3A_108 = vector.broadcast %mul3A_107 : i32 to vector<16xi32>
      %mul3A_109 = arith.muli %get3A_106, %mul3A_108 : vector<16xi32>
      %get3A_110 = arith.index_cast %mul3A_104 : i32 to index
      %get3A_111 = tpu.vector_load %arg8[%get3A_110] {strides = array<i32>} : memref<5120xi32, #tpu.memory_space<vmem>>, vector<16xi32>,
      %get3A_112 = vector.shape_cast %get3A_111 : vector<16xi32> to vector<16xi32>
      %add3A_113 = arith.addi %mul3A_109, %get3A_112 : vector<16xi32>
      %swap3A_114 = arith.index_cast %mul3A_104 : i32 to index
      %swap3A_115 = tpu.vector_load %arg11[%swap3A_114] {strides = array<i32>} : memref<5248xi32, #tpu.memory_space<vmem>>, vector<16xi32>,
      %swap3A_116 = vector.shape_cast %swap3A_115 : vector<16xi32> to vector<16xi32>
      %swap3A_117 = vector.shape_cast %add3A_113 : vector<16xi32> to vector<16xi32>
      tpu.vector_store %arg11[%swap3A_114], %swap3A_117 {strides = array<i32>} : memref<5248xi32, #tpu.memory_space<vmem>>, vector<16xi32>,
      %get3A_118 = arith.index_cast %mul3A_104 : i32 to index
      %get3A_119 = tpu.vector_load %arg9[%get3A_118] {strides = array<i32>} : memref<5120xi32, #tpu.memory_space<vmem>>, vector<16xi32>,
      %get3A_120 = vector.shape_cast %get3A_119 : vector<16xi32> to vector<16xi32>
      %add3A_121 = arith.addi %mul3A_109, %get3A_120 : vector<16xi32>
      %add3A_122 = arith.constant 30000 : i32
      %add3A_123 = vector.broadcast %add3A_122 : i32 to vector<16xi32>
      %add3A_124 = arith.addi %add3A_121, %add3A_123 : vector<16xi32>
      %swap3A_125 = arith.index_cast %mul3A_104 : i32 to index
      %swap3A_126 = tpu.vector_load %arg12[%swap3A_125] {strides = array<i32>} : memref<5248xi32, #tpu.memory_space<vmem>>, vector<16xi32>,
      %swap3A_127 = vector.shape_cast %swap3A_126 : vector<16xi32> to vector<16xi32>
      %swap3A_128 = vector.shape_cast %add3A_124 : vector<16xi32> to vector<16xi32>
      tpu.vector_store %arg12[%swap3A_125], %swap3A_128 {strides = array<i32>} : memref<5248xi32, #tpu.memory_space<vmem>>, vector<16xi32>,
    }
    %scan3A_11 = arith.constant 320 : i32
    %broadcast_in_dim3A = arith.constant 0 : i32
    %broadcast_in_dim3A_12 = vector.broadcast %broadcast_in_dim3A : i32 to vector<16xi32>
    %swap3A = arith.constant 5120 : index
    %swap3A_13 = tpu.vector_load %arg11[%swap3A] {strides = array<i32>} : memref<5248xi32, #tpu.memory_space<vmem>>, vector<16xi32>,
    %swap3A_14 = vector.shape_cast %swap3A_13 : vector<16xi32> to vector<16xi32>
    %swap3A_15 = vector.shape_cast %broadcast_in_dim3A_12 : vector<16xi32> to vector<16xi32>
    tpu.vector_store %arg11[%swap3A], %swap3A_15 {strides = array<i32>} : memref<5248xi32, #tpu.memory_space<vmem>>, vector<16xi32>,
    %swap3A_16 = arith.constant 5120 : index
    %swap3A_17 = tpu.vector_load %arg12[%swap3A_16] {strides = array<i32>} : memref<5248xi32, #tpu.memory_space<vmem>>, vector<16xi32>,
    %swap3A_18 = vector.shape_cast %swap3A_17 : vector<16xi32> to vector<16xi32>
    %swap3A_19 = vector.shape_cast %broadcast_in_dim3A_12 : vector<16xi32> to vector<16xi32>
    tpu.vector_store %arg12[%swap3A_16], %swap3A_19 {strides = array<i32>} : memref<5248xi32, #tpu.memory_space<vmem>>, vector<16xi32>,
    %swap3A_20 = arith.constant 5136 : index
    %swap3A_21 = tpu.vector_load %arg11[%swap3A_20] {strides = array<i32>} : memref<5248xi32, #tpu.memory_space<vmem>>, vector<16xi32>,
    %swap3A_22 = vector.shape_cast %swap3A_21 : vector<16xi32> to vector<16xi32>
    %swap3A_23 = vector.shape_cast %broadcast_in_dim3A_12 : vector<16xi32> to vector<16xi32>
    tpu.vector_store %arg11[%swap3A_20], %swap3A_23 {strides = array<i32>} : memref<5248xi32, #tpu.memory_space<vmem>>, vector<16xi32>,
    %swap3A_24 = arith.constant 5136 : index
    %swap3A_25 = tpu.vector_load %arg12[%swap3A_24] {strides = array<i32>} : memref<5248xi32, #tpu.memory_space<vmem>>, vector<16xi32>,
    %swap3A_26 = vector.shape_cast %swap3A_25 : vector<16xi32> to vector<16xi32>
    %swap3A_27 = vector.shape_cast %broadcast_in_dim3A_12 : vector<16xi32> to vector<16xi32>
    tpu.vector_store %arg12[%swap3A_24], %swap3A_27 {strides = array<i32>} : memref<5248xi32, #tpu.memory_space<vmem>>, vector<16xi32>,
    %swap3A_28 = arith.constant 5152 : index
    %swap3A_29 = tpu.vector_load %arg11[%swap3A_28] {strides = array<i32>} : memref<5248xi32, #tpu.memory_space<vmem>>, vector<16xi32>,
    %swap3A_30 = vector.shape_cast %swap3A_29 : vector<16xi32> to vector<16xi32>
    %swap3A_31 = vector.shape_cast %broadcast_in_dim3A_12 : vector<16xi32> to vector<16xi32>
    tpu.vector_store %arg11[%swap3A_28], %swap3A_31 {strides = array<i32>} : memref<5248xi32, #tpu.memory_space<vmem>>, vector<16xi32>,
    %swap3A_32 = arith.constant 5152 : index
    %swap3A_33 = tpu.vector_load %arg12[%swap3A_32] {strides = array<i32>} : memref<5248xi32, #tpu.memory_space<vmem>>, vector<16xi32>,
    %swap3A_34 = vector.shape_cast %swap3A_33 : vector<16xi32> to vector<16xi32>
    %swap3A_35 = vector.shape_cast %broadcast_in_dim3A_12 : vector<16xi32> to vector<16xi32>
    tpu.vector_store %arg12[%swap3A_32], %swap3A_35 {strides = array<i32>} : memref<5248xi32, #tpu.memory_space<vmem>>, vector<16xi32>,
    %swap3A_36 = arith.constant 5168 : index
    %swap3A_37 = tpu.vector_load %arg11[%swap3A_36] {strides = array<i32>} : memref<5248xi32, #tpu.memory_space<vmem>>, vector<16xi32>,
    %swap3A_38 = vector.shape_cast %swap3A_37 : vector<16xi32> to vector<16xi32>
    %swap3A_39 = vector.shape_cast %broadcast_in_dim3A_12 : vector<16xi32> to vector<16xi32>
    tpu.vector_store %arg11[%swap3A_36], %swap3A_39 {strides = array<i32>} : memref<5248xi32, #tpu.memory_space<vmem>>, vector<16xi32>,
    %swap3A_40 = arith.constant 5168 : index
    %swap3A_41 = tpu.vector_load %arg12[%swap3A_40] {strides = array<i32>} : memref<5248xi32, #tpu.memory_space<vmem>>, vector<16xi32>,
    %swap3A_42 = vector.shape_cast %swap3A_41 : vector<16xi32> to vector<16xi32>
    %swap3A_43 = vector.shape_cast %broadcast_in_dim3A_12 : vector<16xi32> to vector<16xi32>
    tpu.vector_store %arg12[%swap3A_40], %swap3A_43 {strides = array<i32>} : memref<5248xi32, #tpu.memory_space<vmem>>, vector<16xi32>,
    %swap3A_44 = arith.constant 5184 : index
    %swap3A_45 = tpu.vector_load %arg11[%swap3A_44] {strides = array<i32>} : memref<5248xi32, #tpu.memory_space<vmem>>, vector<16xi32>,
    %swap3A_46 = vector.shape_cast %swap3A_45 : vector<16xi32> to vector<16xi32>
    %swap3A_47 = vector.shape_cast %broadcast_in_dim3A_12 : vector<16xi32> to vector<16xi32>
    tpu.vector_store %arg11[%swap3A_44], %swap3A_47 {strides = array<i32>} : memref<5248xi32, #tpu.memory_space<vmem>>, vector<16xi32>,
    %swap3A_48 = arith.constant 5184 : index
    %swap3A_49 = tpu.vector_load %arg12[%swap3A_48] {strides = array<i32>} : memref<5248xi32, #tpu.memory_space<vmem>>, vector<16xi32>,
    %swap3A_50 = vector.shape_cast %swap3A_49 : vector<16xi32> to vector<16xi32>
    %swap3A_51 = vector.shape_cast %broadcast_in_dim3A_12 : vector<16xi32> to vector<16xi32>
    tpu.vector_store %arg12[%swap3A_48], %swap3A_51 {strides = array<i32>} : memref<5248xi32, #tpu.memory_space<vmem>>, vector<16xi32>,
    %swap3A_52 = arith.constant 5200 : index
    %swap3A_53 = tpu.vector_load %arg11[%swap3A_52] {strides = array<i32>} : memref<5248xi32, #tpu.memory_space<vmem>>, vector<16xi32>,
    %swap3A_54 = vector.shape_cast %swap3A_53 : vector<16xi32> to vector<16xi32>
    %swap3A_55 = vector.shape_cast %broadcast_in_dim3A_12 : vector<16xi32> to vector<16xi32>
    tpu.vector_store %arg11[%swap3A_52], %swap3A_55 {strides = array<i32>} : memref<5248xi32, #tpu.memory_space<vmem>>, vector<16xi32>,
    %swap3A_56 = arith.constant 5200 : index
    %swap3A_57 = tpu.vector_load %arg12[%swap3A_56] {strides = array<i32>} : memref<5248xi32, #tpu.memory_space<vmem>>, vector<16xi32>,
    %swap3A_58 = vector.shape_cast %swap3A_57 : vector<16xi32> to vector<16xi32>
    %swap3A_59 = vector.shape_cast %broadcast_in_dim3A_12 : vector<16xi32> to vector<16xi32>
    tpu.vector_store %arg12[%swap3A_56], %swap3A_59 {strides = array<i32>} : memref<5248xi32, #tpu.memory_space<vmem>>, vector<16xi32>,
    %swap3A_60 = arith.constant 5216 : index
    %swap3A_61 = tpu.vector_load %arg11[%swap3A_60] {strides = array<i32>} : memref<5248xi32, #tpu.memory_space<vmem>>, vector<16xi32>,
    %swap3A_62 = vector.shape_cast %swap3A_61 : vector<16xi32> to vector<16xi32>
    %swap3A_63 = vector.shape_cast %broadcast_in_dim3A_12 : vector<16xi32> to vector<16xi32>
    tpu.vector_store %arg11[%swap3A_60], %swap3A_63 {strides = array<i32>} : memref<5248xi32, #tpu.memory_space<vmem>>, vector<16xi32>,
    %swap3A_64 = arith.constant 5216 : index
    %swap3A_65 = tpu.vector_load %arg12[%swap3A_64] {strides = array<i32>} : memref<5248xi32, #tpu.memory_space<vmem>>, vector<16xi32>,
    %swap3A_66 = vector.shape_cast %swap3A_65 : vector<16xi32> to vector<16xi32>
    %swap3A_67 = vector.shape_cast %broadcast_in_dim3A_12 : vector<16xi32> to vector<16xi32>
    tpu.vector_store %arg12[%swap3A_64], %swap3A_67 {strides = array<i32>} : memref<5248xi32, #tpu.memory_space<vmem>>, vector<16xi32>,
    %swap3A_68 = arith.constant 5232 : index
    %swap3A_69 = tpu.vector_load %arg11[%swap3A_68] {strides = array<i32>} : memref<5248xi32, #tpu.memory_space<vmem>>, vector<16xi32>,
    %swap3A_70 = vector.shape_cast %swap3A_69 : vector<16xi32> to vector<16xi32>
    %swap3A_71 = vector.shape_cast %broadcast_in_dim3A_12 : vector<16xi32> to vector<16xi32>
    tpu.vector_store %arg11[%swap3A_68], %swap3A_71 {strides = array<i32>} : memref<5248xi32, #tpu.memory_space<vmem>>, vector<16xi32>,
    %swap3A_72 = arith.constant 5232 : index
    %swap3A_73 = tpu.vector_load %arg12[%swap3A_72] {strides = array<i32>} : memref<5248xi32, #tpu.memory_space<vmem>>, vector<16xi32>,
    %swap3A_74 = vector.shape_cast %swap3A_73 : vector<16xi32> to vector<16xi32>
    %swap3A_75 = vector.shape_cast %broadcast_in_dim3A_12 : vector<16xi32> to vector<16xi32>
    tpu.vector_store %arg12[%swap3A_72], %swap3A_75 {strides = array<i32>} : memref<5248xi32, #tpu.memory_space<vmem>>, vector<16xi32>,
    %dma_start3A = arith.constant 0 : i32
    %dma_start3A_76 = tpu.memref_slice %arg11[%dma_start3A] : memref<5248xi32, #tpu.memory_space<vmem>> -> memref<128xi32, #tpu.memory_space<vmem>>
    %dma_start3A_77 = arith.constant 0 : i32
    %dma_start3A_78 = arith.constant 0 : i32
    %dma_start3A_79 = tpu.memref_slice %arg2[%dma_start3A_77, %dma_start3A_78] : memref<60000x128xi32, #tpu.memory_space<hbm>> -> memref<60000x128xi32, #tpu.memory_space<hbm>>
    tpu.enqueue_indirect_dma source(%dma_start3A_79 : memref<60000x128xi32, #tpu.memory_space<hbm>>) target(%arg13 : memref<128x128xi32, #tpu.memory_space<vmem>>) offsets(%dma_start3A_76 : memref<128xi32, #tpu.memory_space<vmem>>) semaphore(%arg17 : memref<!tpu.dma_semaphore, #tpu.memory_space<semaphore_mem>>)
    %dma_start3A_80 = arith.constant 0 : i32
    %dma_start3A_81 = tpu.memref_slice %arg12[%dma_start3A_80] : memref<5248xi32, #tpu.memory_space<vmem>> -> memref<128xi32, #tpu.memory_space<vmem>>
    %dma_start3A_82 = arith.constant 0 : i32
    %dma_start3A_83 = arith.constant 0 : i32
    %dma_start3A_84 = tpu.memref_slice %arg2[%dma_start3A_82, %dma_start3A_83] : memref<60000x128xi32, #tpu.memory_space<hbm>> -> memref<60000x128xi32, #tpu.memory_space<hbm>>
    tpu.enqueue_indirect_dma source(%dma_start3A_84 : memref<60000x128xi32, #tpu.memory_space<hbm>>) target(%arg14 : memref<128x128xi32, #tpu.memory_space<vmem>>) offsets(%dma_start3A_81 : memref<128xi32, #tpu.memory_space<vmem>>) semaphore(%arg18 : memref<!tpu.dma_semaphore, #tpu.memory_space<semaphore_mem>>)
    %scan3A_85 = arith.constant 0 : i32
    %scan3A_86 = arith.constant 0 : i32
    %scan3A_87 = arith.constant 20 : i32
    %scan3A_88 = arith.addi %scan3A_86, %scan3A_87 : i32
    %scan3A_89 = arith.constant 1 : i32
    scf.for %scan3A_102 = %scan3A_86 to %scan3A_88 step %scan3A_89  : i32 {
      %mul3A_103 = arith.constant 2 : i32
      %mul3A_104 = arith.muli %mul3A_103, %scan3A_102 : i32
      %add3A_105 = arith.constant 1 : i32
      %add3A_106 = arith.addi %mul3A_104, %add3A_105 : i32
      %mul3A_107 = arith.constant 128 : i32
      %mul3A_108 = arith.muli %add3A_106, %mul3A_107 : i32
      %dma_start3A_109 = tpu.memref_slice %arg11[%mul3A_108] : memref<5248xi32, #tpu.memory_space<vmem>> -> memref<128xi32, #tpu.memory_space<vmem>>
      %dma_start3A_110 = arith.constant 0 : i32
      %dma_start3A_111 = arith.constant 0 : i32
      %dma_start3A_112 = tpu.memref_slice %arg2[%dma_start3A_110, %dma_start3A_111] : memref<60000x128xi32, #tpu.memory_space<hbm>> -> memref<60000x128xi32, #tpu.memory_space<hbm>>
      tpu.enqueue_indirect_dma source(%dma_start3A_112 : memref<60000x128xi32, #tpu.memory_space<hbm>>) target(%arg15 : memref<128x128xi32, #tpu.memory_space<vmem>>) offsets(%dma_start3A_109 : memref<128xi32, #tpu.memory_space<vmem>>) semaphore(%arg19 : memref<!tpu.dma_semaphore, #tpu.memory_space<semaphore_mem>>)
      %dma_start3A_113 = tpu.memref_slice %arg12[%mul3A_108] : memref<5248xi32, #tpu.memory_space<vmem>> -> memref<128xi32, #tpu.memory_space<vmem>>
      %dma_start3A_114 = arith.constant 0 : i32
      %dma_start3A_115 = arith.constant 0 : i32
      %dma_start3A_116 = tpu.memref_slice %arg2[%dma_start3A_114, %dma_start3A_115] : memref<60000x128xi32, #tpu.memory_space<hbm>> -> memref<60000x128xi32, #tpu.memory_space<hbm>>
      tpu.enqueue_indirect_dma source(%dma_start3A_116 : memref<60000x128xi32, #tpu.memory_space<hbm>>) target(%arg16 : memref<128x128xi32, #tpu.memory_space<vmem>>) offsets(%dma_start3A_113 : memref<128xi32, #tpu.memory_space<vmem>>) semaphore(%arg20 : memref<!tpu.dma_semaphore, #tpu.memory_space<semaphore_mem>>)
      %dma_wait3A_117 = arith.constant 0 : i32
      %dma_wait3A_118 = arith.constant 0 : i32
      %dma_wait3A_119 = tpu.memref_slice %arg2[%dma_wait3A_117, %dma_wait3A_118] : memref<60000x128xi32, #tpu.memory_space<hbm>> -> memref<128x128xi32, #tpu.memory_space<hbm>>
      %dma_wait3A_120 = arith.constant 0 : i32
      %dma_wait3A_121 = arith.constant 0 : i32
      %dma_wait3A_122 = tpu.memref_slice %arg2[%dma_wait3A_120, %dma_wait3A_121] : memref<60000x128xi32, #tpu.memory_space<hbm>> -> memref<128x128xi32, #tpu.memory_space<hbm>>
      tpu.wait_dma2 semaphore(%arg17 : memref<!tpu.dma_semaphore, #tpu.memory_space<semaphore_mem>>) src(%dma_wait3A_122 : memref<128x128xi32, #tpu.memory_space<hbm>>) dst(%arg13 : memref<128x128xi32, #tpu.memory_space<vmem>>)
      %dma_wait3A_123 = arith.constant 0 : i32
      %dma_wait3A_124 = arith.constant 0 : i32
      %dma_wait3A_125 = tpu.memref_slice %arg2[%dma_wait3A_123, %dma_wait3A_124] : memref<60000x128xi32, #tpu.memory_space<hbm>> -> memref<128x128xi32, #tpu.memory_space<hbm>>
      %dma_wait3A_126 = arith.constant 0 : i32
      %dma_wait3A_127 = arith.constant 0 : i32
      %dma_wait3A_128 = tpu.memref_slice %arg2[%dma_wait3A_126, %dma_wait3A_127] : memref<60000x128xi32, #tpu.memory_space<hbm>> -> memref<128x128xi32, #tpu.memory_space<hbm>>
      tpu.wait_dma2 semaphore(%arg18 : memref<!tpu.dma_semaphore, #tpu.memory_space<semaphore_mem>>) src(%dma_wait3A_128 : memref<128x128xi32, #tpu.memory_space<hbm>>) dst(%arg14 : memref<128x128xi32, #tpu.memory_space<vmem>>)
      %mul3A_129 = arith.constant 128 : i32
      %mul3A_130 = arith.muli %mul3A_104, %mul3A_129 : i32
      %add3A_131 = arith.addi %mul3A_6, %mul3A_130 : i32
      "tpu.region"() ({
        %run_scoped3A = tpu.sem_alloc : memref<!tpu.dma_semaphore, #tpu.memory_space<semaphore_mem>>
        %dma_start3A_158 = arith.constant 0 : i32
        %dma_start3A_159 = tpu.memref_slice %arg6[%add3A_131, %dma_start3A_158] : memref<163840x128xi32, #tpu.memory_space<hbm>> -> memref<128x128xi32, #tpu.memory_space<hbm>>
        %dma_start3A_160 = arith.constant 0 : i32
        %dma_start3A_161 = tpu.memref_slice %arg6[%add3A_131, %dma_start3A_160] : memref<163840x128xi32, #tpu.memory_space<hbm>> -> memref<128x128xi32, #tpu.memory_space<hbm>>
        tpu.enqueue_dma source(%arg13 : memref<128x128xi32, #tpu.memory_space<vmem>>) target(%dma_start3A_161 : memref<128x128xi32, #tpu.memory_space<hbm>>) target_semaphore(%run_scoped3A : memref<!tpu.dma_semaphore, #tpu.memory_space<semaphore_mem>>)
        %dma_wait3A_162 = arith.constant 0 : i32
        %dma_wait3A_163 = tpu.memref_slice %arg6[%add3A_131, %dma_wait3A_162] : memref<163840x128xi32, #tpu.memory_space<hbm>> -> memref<128x128xi32, #tpu.memory_space<hbm>>
        %dma_wait3A_164 = arith.constant 0 : i32
        %dma_wait3A_165 = tpu.memref_slice %arg6[%add3A_131, %dma_wait3A_164] : memref<163840x128xi32, #tpu.memory_space<hbm>> -> memref<128x128xi32, #tpu.memory_space<hbm>>
        tpu.wait_dma2 semaphore(%run_scoped3A : memref<!tpu.dma_semaphore, #tpu.memory_space<semaphore_mem>>) src(%arg13 : memref<128x128xi32, #tpu.memory_space<vmem>>) dst(%dma_wait3A_165 : memref<128x128xi32, #tpu.memory_space<hbm>>)
        tpu.yield
      }) : () -> ()
      "tpu.region"() ({
        %run_scoped3A = tpu.sem_alloc : memref<!tpu.dma_semaphore, #tpu.memory_space<semaphore_mem>>
        %dma_start3A_158 = arith.constant 0 : i32
        %dma_start3A_159 = tpu.memref_slice %arg7[%add3A_131, %dma_start3A_158] : memref<163840x128xi32, #tpu.memory_space<hbm>> -> memref<128x128xi32, #tpu.memory_space<hbm>>
        %dma_start3A_160 = arith.constant 0 : i32
        %dma_start3A_161 = tpu.memref_slice %arg7[%add3A_131, %dma_start3A_160] : memref<163840x128xi32, #tpu.memory_space<hbm>> -> memref<128x128xi32, #tpu.memory_space<hbm>>
        tpu.enqueue_dma source(%arg14 : memref<128x128xi32, #tpu.memory_space<vmem>>) target(%dma_start3A_161 : memref<128x128xi32, #tpu.memory_space<hbm>>) target_semaphore(%run_scoped3A : memref<!tpu.dma_semaphore, #tpu.memory_space<semaphore_mem>>)
        %dma_wait3A_162 = arith.constant 0 : i32
        %dma_wait3A_163 = tpu.memref_slice %arg7[%add3A_131, %dma_wait3A_162] : memref<163840x128xi32, #tpu.memory_space<hbm>> -> memref<128x128xi32, #tpu.memory_space<hbm>>
        %dma_wait3A_164 = arith.constant 0 : i32
        %dma_wait3A_165 = tpu.memref_slice %arg7[%add3A_131, %dma_wait3A_164] : memref<163840x128xi32, #tpu.memory_space<hbm>> -> memref<128x128xi32, #tpu.memory_space<hbm>>
        tpu.wait_dma2 semaphore(%run_scoped3A : memref<!tpu.dma_semaphore, #tpu.memory_space<semaphore_mem>>) src(%arg14 : memref<128x128xi32, #tpu.memory_space<vmem>>) dst(%dma_wait3A_165 : memref<128x128xi32, #tpu.memory_space<hbm>>)
        tpu.yield
      }) : () -> ()
      %add3A_132 = arith.constant 2 : i32
      %add3A_133 = arith.addi %mul3A_104, %add3A_132 : i32
      %mul3A_134 = arith.constant 128 : i32
      %mul3A_135 = arith.muli %add3A_133, %mul3A_134 : i32
      %dma_start3A_136 = tpu.memref_slice %arg11[%mul3A_135] : memref<5248xi32, #tpu.memory_space<vmem>> -> memref<128xi32, #tpu.memory_space<vmem>>
      %dma_start3A_137 = arith.constant 0 : i32
      %dma_start3A_138 = arith.constant 0 : i32
      %dma_start3A_139 = tpu.memref_slice %arg2[%dma_start3A_137, %dma_start3A_138] : memref<60000x128xi32, #tpu.memory_space<hbm>> -> memref<60000x128xi32, #tpu.memory_space<hbm>>
      tpu.enqueue_indirect_dma source(%dma_start3A_139 : memref<60000x128xi32, #tpu.memory_space<hbm>>) target(%arg13 : memref<128x128xi32, #tpu.memory_space<vmem>>) offsets(%dma_start3A_136 : memref<128xi32, #tpu.memory_space<vmem>>) semaphore(%arg17 : memref<!tpu.dma_semaphore, #tpu.memory_space<semaphore_mem>>)
      %dma_start3A_140 = tpu.memref_slice %arg12[%mul3A_135] : memref<5248xi32, #tpu.memory_space<vmem>> -> memref<128xi32, #tpu.memory_space<vmem>>
      %dma_start3A_141 = arith.constant 0 : i32
      %dma_start3A_142 = arith.constant 0 : i32
      %dma_start3A_143 = tpu.memref_slice %arg2[%dma_start3A_141, %dma_start3A_142] : memref<60000x128xi32, #tpu.memory_space<hbm>> -> memref<60000x128xi32, #tpu.memory_space<hbm>>
      tpu.enqueue_indirect_dma source(%dma_start3A_143 : memref<60000x128xi32, #tpu.memory_space<hbm>>) target(%arg14 : memref<128x128xi32, #tpu.memory_space<vmem>>) offsets(%dma_start3A_140 : memref<128xi32, #tpu.memory_space<vmem>>) semaphore(%arg18 : memref<!tpu.dma_semaphore, #tpu.memory_space<semaphore_mem>>)
      %dma_wait3A_144 = arith.constant 0 : i32
      %dma_wait3A_145 = arith.constant 0 : i32
      %dma_wait3A_146 = tpu.memref_slice %arg2[%dma_wait3A_144, %dma_wait3A_145] : memref<60000x128xi32, #tpu.memory_space<hbm>> -> memref<128x128xi32, #tpu.memory_space<hbm>>
      %dma_wait3A_147 = arith.constant 0 : i32
      %dma_wait3A_148 = arith.constant 0 : i32
      %dma_wait3A_149 = tpu.memref_slice %arg2[%dma_wait3A_147, %dma_wait3A_148] : memref<60000x128xi32, #tpu.memory_space<hbm>> -> memref<128x128xi32, #tpu.memory_space<hbm>>
      tpu.wait_dma2 semaphore(%arg19 : memref<!tpu.dma_semaphore, #tpu.memory_space<semaphore_mem>>) src(%dma_wait3A_149 : memref<128x128xi32, #tpu.memory_space<hbm>>) dst(%arg15 : memref<128x128xi32, #tpu.memory_space<vmem>>)
      %dma_wait3A_150 = arith.constant 0 : i32
      %dma_wait3A_151 = arith.constant 0 : i32
      %dma_wait3A_152 = tpu.memref_slice %arg2[%dma_wait3A_150, %dma_wait3A_151] : memref<60000x128xi32, #tpu.memory_space<hbm>> -> memref<128x128xi32, #tpu.memory_space<hbm>>
      %dma_wait3A_153 = arith.constant 0 : i32
      %dma_wait3A_154 = arith.constant 0 : i32
      %dma_wait3A_155 = tpu.memref_slice %arg2[%dma_wait3A_153, %dma_wait3A_154] : memref<60000x128xi32, #tpu.memory_space<hbm>> -> memref<128x128xi32, #tpu.memory_space<hbm>>
      tpu.wait_dma2 semaphore(%arg20 : memref<!tpu.dma_semaphore, #tpu.memory_space<semaphore_mem>>) src(%dma_wait3A_155 : memref<128x128xi32, #tpu.memory_space<hbm>>) dst(%arg16 : memref<128x128xi32, #tpu.memory_space<vmem>>)
      %add3A_156 = arith.constant 128 : i32
      %add3A_157 = arith.addi %add3A_131, %add3A_156 : i32
      "tpu.region"() ({
        %run_scoped3A = tpu.sem_alloc : memref<!tpu.dma_semaphore, #tpu.memory_space<semaphore_mem>>
        %dma_start3A_158 = arith.constant 0 : i32
        %dma_start3A_159 = tpu.memref_slice %arg6[%add3A_157, %dma_start3A_158] : memref<163840x128xi32, #tpu.memory_space<hbm>> -> memref<128x128xi32, #tpu.memory_space<hbm>>
        %dma_start3A_160 = arith.constant 0 : i32
        %dma_start3A_161 = tpu.memref_slice %arg6[%add3A_157, %dma_start3A_160] : memref<163840x128xi32, #tpu.memory_space<hbm>> -> memref<128x128xi32, #tpu.memory_space<hbm>>
        tpu.enqueue_dma source(%arg15 : memref<128x128xi32, #tpu.memory_space<vmem>>) target(%dma_start3A_161 : memref<128x128xi32, #tpu.memory_space<hbm>>) target_semaphore(%run_scoped3A : memref<!tpu.dma_semaphore, #tpu.memory_space<semaphore_mem>>)
        %dma_wait3A_162 = arith.constant 0 : i32
        %dma_wait3A_163 = tpu.memref_slice %arg6[%add3A_157, %dma_wait3A_162] : memref<163840x128xi32, #tpu.memory_space<hbm>> -> memref<128x128xi32, #tpu.memory_space<hbm>>
        %dma_wait3A_164 = arith.constant 0 : i32
        %dma_wait3A_165 = tpu.memref_slice %arg6[%add3A_157, %dma_wait3A_164] : memref<163840x128xi32, #tpu.memory_space<hbm>> -> memref<128x128xi32, #tpu.memory_space<hbm>>
        tpu.wait_dma2 semaphore(%run_scoped3A : memref<!tpu.dma_semaphore, #tpu.memory_space<semaphore_mem>>) src(%arg15 : memref<128x128xi32, #tpu.memory_space<vmem>>) dst(%dma_wait3A_165 : memref<128x128xi32, #tpu.memory_space<hbm>>)
        tpu.yield
      }) : () -> ()
      "tpu.region"() ({
        %run_scoped3A = tpu.sem_alloc : memref<!tpu.dma_semaphore, #tpu.memory_space<semaphore_mem>>
        %dma_start3A_158 = arith.constant 0 : i32
        %dma_start3A_159 = tpu.memref_slice %arg7[%add3A_157, %dma_start3A_158] : memref<163840x128xi32, #tpu.memory_space<hbm>> -> memref<128x128xi32, #tpu.memory_space<hbm>>
        %dma_start3A_160 = arith.constant 0 : i32
        %dma_start3A_161 = tpu.memref_slice %arg7[%add3A_157, %dma_start3A_160] : memref<163840x128xi32, #tpu.memory_space<hbm>> -> memref<128x128xi32, #tpu.memory_space<hbm>>
        tpu.enqueue_dma source(%arg16 : memref<128x128xi32, #tpu.memory_space<vmem>>) target(%dma_start3A_161 : memref<128x128xi32, #tpu.memory_space<hbm>>) target_semaphore(%run_scoped3A : memref<!tpu.dma_semaphore, #tpu.memory_space<semaphore_mem>>)
        %dma_wait3A_162 = arith.constant 0 : i32
        %dma_wait3A_163 = tpu.memref_slice %arg7[%add3A_157, %dma_wait3A_162] : memref<163840x128xi32, #tpu.memory_space<hbm>> -> memref<128x128xi32, #tpu.memory_space<hbm>>
        %dma_wait3A_164 = arith.constant 0 : i32
        %dma_wait3A_165 = tpu.memref_slice %arg7[%add3A_157, %dma_wait3A_164] : memref<163840x128xi32, #tpu.memory_space<hbm>> -> memref<128x128xi32, #tpu.memory_space<hbm>>
        tpu.wait_dma2 semaphore(%run_scoped3A : memref<!tpu.dma_semaphore, #tpu.memory_space<semaphore_mem>>) src(%arg16 : memref<128x128xi32, #tpu.memory_space<vmem>>) dst(%dma_wait3A_165 : memref<128x128xi32, #tpu.memory_space<hbm>>)
        tpu.yield
      }) : () -> ()
    }
    %scan3A_90 = arith.constant 20 : i32
    %dma_wait3A = arith.constant 0 : i32
    %dma_wait3A_91 = arith.constant 0 : i32
    %dma_wait3A_92 = tpu.memref_slice %arg2[%dma_wait3A, %dma_wait3A_91] : memref<60000x128xi32, #tpu.memory_space<hbm>> -> memref<128x128xi32, #tpu.memory_space<hbm>>
    %dma_wait3A_93 = arith.constant 0 : i32
    %dma_wait3A_94 = arith.constant 0 : i32
    %dma_wait3A_95 = tpu.memref_slice %arg2[%dma_wait3A_93, %dma_wait3A_94] : memref<60000x128xi32, #tpu.memory_space<hbm>> -> memref<128x128xi32, #tpu.memory_space<hbm>>
    tpu.wait_dma2 semaphore(%arg17 : memref<!tpu.dma_semaphore, #tpu.memory_space<semaphore_mem>>) src(%dma_wait3A_95 : memref<128x128xi32, #tpu.memory_space<hbm>>) dst(%arg13 : memref<128x128xi32, #tpu.memory_space<vmem>>)
    %dma_wait3A_96 = arith.constant 0 : i32
    %dma_wait3A_97 = arith.constant 0 : i32
    %dma_wait3A_98 = tpu.memref_slice %arg2[%dma_wait3A_96, %dma_wait3A_97] : memref<60000x128xi32, #tpu.memory_space<hbm>> -> memref<128x128xi32, #tpu.memory_space<hbm>>
    %dma_wait3A_99 = arith.constant 0 : i32
    %dma_wait3A_100 = arith.constant 0 : i32
    %dma_wait3A_101 = tpu.memref_slice %arg2[%dma_wait3A_99, %dma_wait3A_100] : memref<60000x128xi32, #tpu.memory_space<hbm>> -> memref<128x128xi32, #tpu.memory_space<hbm>>
    tpu.wait_dma2 semaphore(%arg18 : memref<!tpu.dma_semaphore, #tpu.memory_space<semaphore_mem>>) src(%dma_wait3A_101 : memref<128x128xi32, #tpu.memory_space<hbm>>) dst(%arg14 : memref<128x128xi32, #tpu.memory_space<vmem>>)
    return
  }
}

module attributes {stable_mosaic.version = 14 : i64} {
  func.func @_proj_body(%arg0: i32, %arg1: i32, %arg2: memref<200x256xbf16, #tpu.memory_space<vmem>>, %arg3: memref<1x256x256xbf16, #tpu.memory_space<vmem>>, %arg4: memref<1x200x128xi32, #tpu.memory_space<vmem>>) attributes {dimension_semantics = [#tpu.dimension_semantics<arbitrary>, #tpu.dimension_semantics<arbitrary>], iteration_bounds = array<i64: 6, 50>, scalar_prefetch = 0 : i64, scratch_operands = 0 : i64, tpu.core_type = #tpu.core_type<tc>, window_params = [{transform_indices = @transform_0, window_bounds = array<i64: 200, 256>}, {transform_indices = @transform_1, window_bounds = array<i64: 1, 256, 256>}, {transform_indices = @transform_2, window_bounds = array<i64: 1, 200, 128>}]} {
    %get3A = arith.constant 0 : index
    %get3A_0 = arith.constant 0 : index
    %get3A_1 = vector.load %arg2[%get3A, %get3A_0] : memref<200x256xbf16, #tpu.memory_space<vmem>>, vector<200x256xbf16>
    %get3A_2 = arith.constant 0 : index
    %get3A_3 = arith.constant 0 : index
    %get3A_4 = arith.constant 0 : index
    %get3A_5 = vector.load %arg3[%get3A_2, %get3A_3, %get3A_4] : memref<1x256x256xbf16, #tpu.memory_space<vmem>>, vector<1x256x256xbf16>
    %get3A_6 = vector.shape_cast %get3A_5 : vector<1x256x256xbf16> to vector<256x256xbf16>
    %dot_general3A = arith.constant dense<0.000000e+00> : vector<200x256xf32>
    %dot_general3A_7 = tpu.matmul %get3A_1, %get3A_6, %dot_general3A {dimension_numbers = #tpu.dot_dimension_numbers<[1], [0], [0], [1], [0, 0, 1, 1], [], []>, transpose_lhs_hint = false} : vector<200x256xbf16>, vector<256x256xbf16>, vector<200x256xf32> -> vector<200x256xf32>
    %slice3A = vector.extract_strided_slice %dot_general3A_7 {offsets = [0, 0], sizes = [200, 128], strides = [1, 1]} : vector<200x256xf32> to vector<200x128xf32>
    %slice3A_8 = vector.extract_strided_slice %dot_general3A_7 {offsets = [0, 128], sizes = [200, 128], strides = [1, 1]} : vector<200x256xf32> to vector<200x128xf32>
    %bitcast_convert_type3A = tpu.bitcast %slice3A : vector<200x128xf32> -> vector<200x128xi32>
    %add3A = arith.constant 32767 : i32
    %add3A_9 = vector.broadcast %add3A : i32 to vector<200x128xi32>
    %add3A_10 = arith.addi %bitcast_convert_type3A, %add3A_9 : vector<200x128xi32>
    %shift_right_arithmetic3A = arith.constant 16 : i32
    %shift_right_arithmetic3A_11 = vector.broadcast %shift_right_arithmetic3A : i32 to vector<200x128xi32>
    %shift_right_arithmetic3A_12 = arith.shrsi %bitcast_convert_type3A, %shift_right_arithmetic3A_11 : vector<200x128xi32>
    %and3A = arith.constant 1 : i32
    %and3A_13 = vector.broadcast %and3A : i32 to vector<200x128xi32>
    %and3A_14 = arith.andi %shift_right_arithmetic3A_12, %and3A_13 : vector<200x128xi32>
    %add3A_15 = arith.addi %add3A_10, %and3A_14 : vector<200x128xi32>
    %shift_right_arithmetic3A_16 = arith.constant 16 : i32
    %shift_right_arithmetic3A_17 = vector.broadcast %shift_right_arithmetic3A_16 : i32 to vector<200x128xi32>
    %shift_right_arithmetic3A_18 = arith.shrsi %add3A_15, %shift_right_arithmetic3A_17 : vector<200x128xi32>
    %and3A_19 = arith.constant 65535 : i32
    %and3A_20 = vector.broadcast %and3A_19 : i32 to vector<200x128xi32>
    %and3A_21 = arith.andi %shift_right_arithmetic3A_18, %and3A_20 : vector<200x128xi32>
    %bitcast_convert_type3A_22 = tpu.bitcast %slice3A_8 : vector<200x128xf32> -> vector<200x128xi32>
    %add3A_23 = arith.constant 32767 : i32
    %add3A_24 = vector.broadcast %add3A_23 : i32 to vector<200x128xi32>
    %add3A_25 = arith.addi %bitcast_convert_type3A_22, %add3A_24 : vector<200x128xi32>
    %shift_right_arithmetic3A_26 = arith.constant 16 : i32
    %shift_right_arithmetic3A_27 = vector.broadcast %shift_right_arithmetic3A_26 : i32 to vector<200x128xi32>
    %shift_right_arithmetic3A_28 = arith.shrsi %bitcast_convert_type3A_22, %shift_right_arithmetic3A_27 : vector<200x128xi32>
    %and3A_29 = arith.constant 1 : i32
    %and3A_30 = vector.broadcast %and3A_29 : i32 to vector<200x128xi32>
    %and3A_31 = arith.andi %shift_right_arithmetic3A_28, %and3A_30 : vector<200x128xi32>
    %add3A_32 = arith.addi %add3A_25, %and3A_31 : vector<200x128xi32>
    %and3A_33 = arith.constant -65536 : i32
    %and3A_34 = vector.broadcast %and3A_33 : i32 to vector<200x128xi32>
    %and3A_35 = arith.andi %add3A_32, %and3A_34 : vector<200x128xi32>
    %or3A = arith.ori %and3A_35, %and3A_21 : vector<200x128xi32>
    %broadcast_in_dim3A = vector.shape_cast %or3A : vector<200x128xi32> to vector<1x200x128xi32>
    %swap3A = arith.constant 0 : index
    %swap3A_36 = arith.constant 0 : index
    %swap3A_37 = arith.constant 0 : index
    %swap3A_38 = vector.load %arg4[%swap3A, %swap3A_36, %swap3A_37] : memref<1x200x128xi32, #tpu.memory_space<vmem>>, vector<1x200x128xi32>
    tpu.vector_store %arg4[%swap3A, %swap3A_36, %swap3A_37], %broadcast_in_dim3A {strides = array<i32>} : memref<1x200x128xi32, #tpu.memory_space<vmem>>, vector<1x200x128xi32>,
    return
  }
  func.func @transform_0(%arg0: i32, %arg1: i32) -> (i32, i32) {
    %c0_i32 = arith.constant 0 : i32
    %c0_i32_0 = arith.constant 0 : i32
    return %arg1, %c0_i32 : i32, i32
  }
  func.func @transform_1(%arg0: i32, %arg1: i32) -> (i32, i32, i32) {
    %c0_i32 = arith.constant 0 : i32
    %c0_i32_0 = arith.constant 0 : i32
    %c0_i32_1 = arith.constant 0 : i32
    return %arg0, %c0_i32, %c0_i32_0 : i32, i32, i32
  }
  func.func @transform_2(%arg0: i32, %arg1: i32) -> (i32, i32, i32) {
    %c0_i32 = arith.constant 0 : i32
    %c0_i32_0 = arith.constant 0 : i32
    return %arg0, %arg1, %c0_i32 : i32, i32, i32
  }
}

module attributes {stable_mosaic.version = 14 : i64} {
  func.func @_edge_body(%arg0: i32, %arg1: memref<1280x128xi32, #tpu.memory_space<vmem>>, %arg2: memref<1280x128xi32, #tpu.memory_space<vmem>>, %arg3: memref<1280x64xbf16, #tpu.memory_space<vmem>>, %arg4: memref<1280x1xf32, #tpu.memory_space<vmem>>, %arg5: memref<1280x1xf32, #tpu.memory_space<vmem>>, %arg6: memref<64x768xbf16, #tpu.memory_space<vmem>>, %arg7: memref<3x256xf32, #tpu.memory_space<vmem>>, %arg8: memref<256x768xbf16, #tpu.memory_space<vmem>>, %arg9: memref<3x256xf32, #tpu.memory_space<vmem>>, %arg10: memref<256x3xf32, #tpu.memory_space<vmem>>, %arg11: memref<3x1xf32, #tpu.memory_space<vmem>>, %arg12: memref<1280x1xf32, #tpu.memory_space<vmem>>, %arg13: memref<1280x1xf32, #tpu.memory_space<vmem>>) attributes {dimension_semantics = [#tpu.dimension_semantics<arbitrary>], iteration_bounds = array<i64: 125>, scalar_prefetch = 0 : i64, scratch_operands = 0 : i64, tpu.core_type = #tpu.core_type<tc>, window_params = [{transform_indices = @transform_0, window_bounds = array<i64: 1280, 128>}, {transform_indices = @transform_1, window_bounds = array<i64: 1280, 128>}, {transform_indices = @transform_2, window_bounds = array<i64: 1280, 64>}, {transform_indices = @transform_3, window_bounds = array<i64: 1280, 1>}, {transform_indices = @transform_4, window_bounds = array<i64: 1280, 1>}, {pipeline_mode = #tpu.pipeline_mode<synchronous>, transform_indices = @transform_5, window_bounds = array<i64: 64, 768>}, {pipeline_mode = #tpu.pipeline_mode<synchronous>, transform_indices = @transform_6, window_bounds = array<i64: 3, 256>}, {pipeline_mode = #tpu.pipeline_mode<synchronous>, transform_indices = @transform_7, window_bounds = array<i64: 256, 768>}, {pipeline_mode = #tpu.pipeline_mode<synchronous>, transform_indices = @transform_8, window_bounds = array<i64: 3, 256>}, {pipeline_mode = #tpu.pipeline_mode<synchronous>, transform_indices = @transform_9, window_bounds = array<i64: 256, 3>}, {pipeline_mode = #tpu.pipeline_mode<synchronous>, transform_indices = @transform_10, window_bounds = array<i64: 3, 1>}, {transform_indices = @transform_11, window_bounds = array<i64: 1280, 1>}, {transform_indices = @transform_12, window_bounds = array<i64: 1280, 1>}]} {
    %get3A = arith.constant 0 : index
    %get3A_0 = arith.constant 0 : index
    %get3A_1 = vector.load %arg4[%get3A, %get3A_0] : memref<1280x1xf32, #tpu.memory_space<vmem>>, vector<1280x1xf32>
    %get3A_2 = arith.constant 0 : index
    %get3A_3 = arith.constant 0 : index
    %get3A_4 = vector.load %arg1[%get3A_2, %get3A_3] : memref<1280x128xi32, #tpu.memory_space<vmem>>, vector<1280x128xi32>
    %shift_left3A = arith.constant 16 : i32
    %shift_left3A_5 = vector.broadcast %shift_left3A : i32 to vector<1280x128xi32>
    %shift_left3A_6 = arith.shli %get3A_4, %shift_left3A_5 : vector<1280x128xi32>
    %bitcast_convert_type3A = tpu.bitcast %shift_left3A_6 : vector<1280x128xi32> -> vector<1280x128xf32>
    %and3A = arith.constant -65536 : i32
    %and3A_7 = vector.broadcast %and3A : i32 to vector<1280x128xi32>
    %and3A_8 = arith.andi %get3A_4, %and3A_7 : vector<1280x128xi32>
    %bitcast_convert_type3A_9 = tpu.bitcast %and3A_8 : vector<1280x128xi32> -> vector<1280x128xf32>
    %get3A_10 = arith.constant 0 : index
    %get3A_11 = arith.constant 0 : index
    %get3A_12 = vector.load %arg2[%get3A_10, %get3A_11] : memref<1280x128xi32, #tpu.memory_space<vmem>>, vector<1280x128xi32>
    %shift_left3A_13 = arith.constant 16 : i32
    %shift_left3A_14 = vector.broadcast %shift_left3A_13 : i32 to vector<1280x128xi32>
    %shift_left3A_15 = arith.shli %get3A_12, %shift_left3A_14 : vector<1280x128xi32>
    %bitcast_convert_type3A_16 = tpu.bitcast %shift_left3A_15 : vector<1280x128xi32> -> vector<1280x128xf32>
    %and3A_17 = arith.constant -65536 : i32
    %and3A_18 = vector.broadcast %and3A_17 : i32 to vector<1280x128xi32>
    %and3A_19 = arith.andi %get3A_12, %and3A_18 : vector<1280x128xi32>
    %bitcast_convert_type3A_20 = tpu.bitcast %and3A_19 : vector<1280x128xi32> -> vector<1280x128xf32>
    %add3A = arith.addf %bitcast_convert_type3A, %bitcast_convert_type3A_16 : vector<1280x128xf32>
    %add3A_21 = arith.addf %bitcast_convert_type3A_9, %bitcast_convert_type3A_20 : vector<1280x128xf32>
    %get3A_22 = arith.constant 0 : index
    %get3A_23 = arith.constant 0 : index
    %get3A_24 = vector.load %arg3[%get3A_22, %get3A_23] : memref<1280x64xbf16, #tpu.memory_space<vmem>>, vector<1280x64xbf16>
    %get3A_25 = arith.constant 0 : index
    %get3A_26 = arith.constant 0 : index
    %get3A_27 = vector.load %arg6[%get3A_25, %get3A_26] : memref<64x768xbf16, #tpu.memory_space<vmem>>, vector<64x768xbf16>
    %dot_general3A = arith.constant dense<0.000000e+00> : vector<1280x768xf32>
    %dot_general3A_28 = tpu.matmul %get3A_24, %get3A_27, %dot_general3A {dimension_numbers = #tpu.dot_dimension_numbers<[1], [0], [0], [1], [0, 0, 1, 1], [], []>, transpose_lhs_hint = false} : vector<1280x64xbf16>, vector<64x768xbf16>, vector<1280x768xf32> -> vector<1280x768xf32>
    %slice3A = vector.extract_strided_slice %dot_general3A_28 {offsets = [0, 0], sizes = [1280, 256], strides = [1, 1]} : vector<1280x768xf32> to vector<1280x256xf32>
    %get3A_29 = arith.constant 0 : index
    %get3A_30 = arith.constant 0 : index
    %get3A_31 = vector.load %arg7[%get3A_29, %get3A_30] : memref<3x256xf32, #tpu.memory_space<vmem>>, vector<1x256xf32>
    %get3A_32 = vector.shape_cast %get3A_31 : vector<1x256xf32> to vector<256xf32>
    %broadcast_in_dim3A = vector.shape_cast %get3A_32 : vector<256xf32> to vector<1x256xf32>
    %add3A_33 = vector.broadcast %broadcast_in_dim3A : vector<1x256xf32> to vector<1280x256xf32>
    %add3A_34 = arith.addf %slice3A, %add3A_33 : vector<1280x256xf32>
    %slice3A_35 = vector.extract_strided_slice %dot_general3A_28 {offsets = [0, 256], sizes = [1280, 256], strides = [1, 1]} : vector<1280x768xf32> to vector<1280x256xf32>
    %get3A_36 = arith.constant 1 : index
    %get3A_37 = arith.constant 0 : index
    %get3A_38 = vector.load %arg7[%get3A_36, %get3A_37] : memref<3x256xf32, #tpu.memory_space<vmem>>, vector<1x256xf32>
    %get3A_39 = vector.shape_cast %get3A_38 : vector<1x256xf32> to vector<256xf32>
    %broadcast_in_dim3A_40 = vector.shape_cast %get3A_39 : vector<256xf32> to vector<1x256xf32>
    %add3A_41 = vector.broadcast %broadcast_in_dim3A_40 : vector<1x256xf32> to vector<1280x256xf32>
    %add3A_42 = arith.addf %slice3A_35, %add3A_41 : vector<1280x256xf32>
    %slice3A_43 = vector.extract_strided_slice %dot_general3A_28 {offsets = [0, 512], sizes = [1280, 256], strides = [1, 1]} : vector<1280x768xf32> to vector<1280x256xf32>
    %get3A_44 = arith.constant 2 : index
    %get3A_45 = arith.constant 0 : index
    %get3A_46 = vector.load %arg7[%get3A_44, %get3A_45] : memref<3x256xf32, #tpu.memory_space<vmem>>, vector<1x256xf32>
    %get3A_47 = vector.shape_cast %get3A_46 : vector<1x256xf32> to vector<256xf32>
    %broadcast_in_dim3A_48 = vector.shape_cast %get3A_47 : vector<256xf32> to vector<1x256xf32>
    %add3A_49 = vector.broadcast %broadcast_in_dim3A_48 : vector<1x256xf32> to vector<1280x256xf32>
    %add3A_50 = arith.addf %slice3A_43, %add3A_49 : vector<1280x256xf32>
    %eq3A = arith.constant 0.000000e+00 : f32
    %eq3A_51 = vector.broadcast %eq3A : f32 to vector<1280x1xf32>
    %eq3A_52 = arith.cmpf oeq, %get3A_1, %eq3A_51 : vector<1280x1xf32>
    %jit3A = arith.constant 0.000000e+00 : f32
    %broadcast_in_dim3A_53 = vector.shape_cast %eq3A_52 : vector<1280x1xi1> to vector<1280x1xi1>
    %broadcast_in_dim3A_54 = vector.broadcast %broadcast_in_dim3A_53 : vector<1280x1xi1> to vector<1280x256xi1>
    %broadcast_in_dim3A_55 = vector.broadcast %jit3A : f32 to vector<1280x256xf32>
    %select_n3A = arith.select %broadcast_in_dim3A_54, %add3A_34, %broadcast_in_dim3A_55 : vector<1280x256xi1>, vector<1280x256xf32>
    %eq3A_56 = arith.constant 1.000000e+00 : f32
    %eq3A_57 = vector.broadcast %eq3A_56 : f32 to vector<1280x1xf32>
    %eq3A_58 = arith.cmpf oeq, %get3A_1, %eq3A_57 : vector<1280x1xf32>
    %jit3A_59 = arith.constant 0.000000e+00 : f32
    %broadcast_in_dim3A_60 = vector.shape_cast %eq3A_58 : vector<1280x1xi1> to vector<1280x1xi1>
    %broadcast_in_dim3A_61 = vector.broadcast %broadcast_in_dim3A_60 : vector<1280x1xi1> to vector<1280x256xi1>
    %broadcast_in_dim3A_62 = vector.broadcast %jit3A_59 : f32 to vector<1280x256xf32>
    %select_n3A_63 = arith.select %broadcast_in_dim3A_61, %add3A_42, %broadcast_in_dim3A_62 : vector<1280x256xi1>, vector<1280x256xf32>
    %add3A_64 = arith.addf %select_n3A, %select_n3A_63 : vector<1280x256xf32>
    %eq3A_65 = arith.constant 2.000000e+00 : f32
    %eq3A_66 = vector.broadcast %eq3A_65 : f32 to vector<1280x1xf32>
    %eq3A_67 = arith.cmpf oeq, %get3A_1, %eq3A_66 : vector<1280x1xf32>
    %jit3A_68 = arith.constant 0.000000e+00 : f32
    %broadcast_in_dim3A_69 = vector.shape_cast %eq3A_67 : vector<1280x1xi1> to vector<1280x1xi1>
    %broadcast_in_dim3A_70 = vector.broadcast %broadcast_in_dim3A_69 : vector<1280x1xi1> to vector<1280x256xi1>
    %broadcast_in_dim3A_71 = vector.broadcast %jit3A_68 : f32 to vector<1280x256xf32>
    %select_n3A_72 = arith.select %broadcast_in_dim3A_70, %add3A_50, %broadcast_in_dim3A_71 : vector<1280x256xi1>, vector<1280x256xf32>
    %add3A_73 = arith.addf %add3A_64, %select_n3A_72 : vector<1280x256xf32>
    %slice3A_74 = vector.extract_strided_slice %add3A_73 {offsets = [0, 0], sizes = [1280, 128], strides = [1, 1]} : vector<1280x256xf32> to vector<1280x128xf32>
    %add3A_75 = arith.addf %add3A, %slice3A_74 : vector<1280x128xf32>
    %mul3A = arith.constant 5.000000e-01 : f32
    %mul3A_76 = vector.broadcast %mul3A : f32 to vector<1280x128xf32>
    %mul3A_77 = arith.mulf %mul3A_76, %add3A_75 : vector<1280x128xf32>
    %mul3A_78 = arith.constant 0.707106769 : f32
    %mul3A_79 = vector.broadcast %mul3A_78 : f32 to vector<1280x128xf32>
    %mul3A_80 = arith.mulf %add3A_75, %mul3A_79 : vector<1280x128xf32>
    %erf3A = math.erf %mul3A_80 : vector<1280x128xf32>
    %add3A_81 = arith.constant 1.000000e+00 : f32
    %add3A_82 = vector.broadcast %add3A_81 : f32 to vector<1280x128xf32>
    %add3A_83 = arith.addf %add3A_82, %erf3A : vector<1280x128xf32>
    %mul3A_84 = arith.mulf %mul3A_77, %add3A_83 : vector<1280x128xf32>
    %convert_element_type3A = arith.truncf %mul3A_84 : vector<1280x128xf32> to vector<1280x128xbf16>
    %slice3A_85 = vector.extract_strided_slice %add3A_73 {offsets = [0, 128], sizes = [1280, 128], strides = [1, 1]} : vector<1280x256xf32> to vector<1280x128xf32>
    %add3A_86 = arith.addf %add3A_21, %slice3A_85 : vector<1280x128xf32>
    %mul3A_87 = arith.constant 5.000000e-01 : f32
    %mul3A_88 = vector.broadcast %mul3A_87 : f32 to vector<1280x128xf32>
    %mul3A_89 = arith.mulf %mul3A_88, %add3A_86 : vector<1280x128xf32>
    %mul3A_90 = arith.constant 0.707106769 : f32
    %mul3A_91 = vector.broadcast %mul3A_90 : f32 to vector<1280x128xf32>
    %mul3A_92 = arith.mulf %add3A_86, %mul3A_91 : vector<1280x128xf32>
    %erf3A_93 = math.erf %mul3A_92 : vector<1280x128xf32>
    %add3A_94 = arith.constant 1.000000e+00 : f32
    %add3A_95 = vector.broadcast %add3A_94 : f32 to vector<1280x128xf32>
    %add3A_96 = arith.addf %add3A_95, %erf3A_93 : vector<1280x128xf32>
    %mul3A_97 = arith.mulf %mul3A_89, %add3A_96 : vector<1280x128xf32>
    %convert_element_type3A_98 = arith.truncf %mul3A_97 : vector<1280x128xf32> to vector<1280x128xbf16>
    %get3A_99 = arith.constant 0 : index
    %get3A_100 = arith.constant 0 : index
    %get3A_101 = vector.load %arg8[%get3A_99, %get3A_100] : memref<256x768xbf16, #tpu.memory_space<vmem>>, vector<128x768xbf16>
    %dot_general3A_102 = arith.constant dense<0.000000e+00> : vector<1280x768xf32>
    %dot_general3A_103 = tpu.matmul %convert_element_type3A, %get3A_101, %dot_general3A_102 {dimension_numbers = #tpu.dot_dimension_numbers<[1], [0], [0], [1], [0, 0, 1, 1], [], []>, transpose_lhs_hint = false} : vector<1280x128xbf16>, vector<128x768xbf16>, vector<1280x768xf32> -> vector<1280x768xf32>
    %get3A_104 = arith.constant 128 : index
    %get3A_105 = arith.constant 0 : index
    %get3A_106 = vector.load %arg8[%get3A_104, %get3A_105] : memref<256x768xbf16, #tpu.memory_space<vmem>>, vector<128x768xbf16>
    %dot_general3A_107 = arith.constant dense<0.000000e+00> : vector<1280x768xf32>
    %dot_general3A_108 = tpu.matmul %convert_element_type3A_98, %get3A_106, %dot_general3A_107 {dimension_numbers = #tpu.dot_dimension_numbers<[1], [0], [0], [1], [0, 0, 1, 1], [], []>, transpose_lhs_hint = false} : vector<1280x128xbf16>, vector<128x768xbf16>, vector<1280x768xf32> -> vector<1280x768xf32>
    %add3A_109 = arith.addf %dot_general3A_103, %dot_general3A_108 : vector<1280x768xf32>
    %slice3A_110 = vector.extract_strided_slice %add3A_109 {offsets = [0, 0], sizes = [1280, 256], strides = [1, 1]} : vector<1280x768xf32> to vector<1280x256xf32>
    %get3A_111 = arith.constant 0 : index
    %get3A_112 = arith.constant 0 : index
    %get3A_113 = vector.load %arg9[%get3A_111, %get3A_112] : memref<3x256xf32, #tpu.memory_space<vmem>>, vector<1x256xf32>
    %get3A_114 = vector.shape_cast %get3A_113 : vector<1x256xf32> to vector<256xf32>
    %broadcast_in_dim3A_115 = vector.shape_cast %get3A_114 : vector<256xf32> to vector<1x256xf32>
    %add3A_116 = vector.broadcast %broadcast_in_dim3A_115 : vector<1x256xf32> to vector<1280x256xf32>
    %add3A_117 = arith.addf %slice3A_110, %add3A_116 : vector<1280x256xf32>
    %slice3A_118 = vector.extract_strided_slice %add3A_109 {offsets = [0, 256], sizes = [1280, 256], strides = [1, 1]} : vector<1280x768xf32> to vector<1280x256xf32>
    %get3A_119 = arith.constant 1 : index
    %get3A_120 = arith.constant 0 : index
    %get3A_121 = vector.load %arg9[%get3A_119, %get3A_120] : memref<3x256xf32, #tpu.memory_space<vmem>>, vector<1x256xf32>
    %get3A_122 = vector.shape_cast %get3A_121 : vector<1x256xf32> to vector<256xf32>
    %broadcast_in_dim3A_123 = vector.shape_cast %get3A_122 : vector<256xf32> to vector<1x256xf32>
    %add3A_124 = vector.broadcast %broadcast_in_dim3A_123 : vector<1x256xf32> to vector<1280x256xf32>
    %add3A_125 = arith.addf %slice3A_118, %add3A_124 : vector<1280x256xf32>
    %slice3A_126 = vector.extract_strided_slice %add3A_109 {offsets = [0, 512], sizes = [1280, 256], strides = [1, 1]} : vector<1280x768xf32> to vector<1280x256xf32>
    %get3A_127 = arith.constant 2 : index
    %get3A_128 = arith.constant 0 : index
    %get3A_129 = vector.load %arg9[%get3A_127, %get3A_128] : memref<3x256xf32, #tpu.memory_space<vmem>>, vector<1x256xf32>
    %get3A_130 = vector.shape_cast %get3A_129 : vector<1x256xf32> to vector<256xf32>
    %broadcast_in_dim3A_131 = vector.shape_cast %get3A_130 : vector<256xf32> to vector<1x256xf32>
    %add3A_132 = vector.broadcast %broadcast_in_dim3A_131 : vector<1x256xf32> to vector<1280x256xf32>
    %add3A_133 = arith.addf %slice3A_126, %add3A_132 : vector<1280x256xf32>
    %eq3A_134 = arith.constant 0.000000e+00 : f32
    %eq3A_135 = vector.broadcast %eq3A_134 : f32 to vector<1280x1xf32>
    %eq3A_136 = arith.cmpf oeq, %get3A_1, %eq3A_135 : vector<1280x1xf32>
    %jit3A_137 = arith.constant 0.000000e+00 : f32
    %broadcast_in_dim3A_138 = vector.shape_cast %eq3A_136 : vector<1280x1xi1> to vector<1280x1xi1>
    %broadcast_in_dim3A_139 = vector.broadcast %broadcast_in_dim3A_138 : vector<1280x1xi1> to vector<1280x256xi1>
    %broadcast_in_dim3A_140 = vector.broadcast %jit3A_137 : f32 to vector<1280x256xf32>
    %select_n3A_141 = arith.select %broadcast_in_dim3A_139, %add3A_117, %broadcast_in_dim3A_140 : vector<1280x256xi1>, vector<1280x256xf32>
    %eq3A_142 = arith.constant 1.000000e+00 : f32
    %eq3A_143 = vector.broadcast %eq3A_142 : f32 to vector<1280x1xf32>
    %eq3A_144 = arith.cmpf oeq, %get3A_1, %eq3A_143 : vector<1280x1xf32>
    %jit3A_145 = arith.constant 0.000000e+00 : f32
    %broadcast_in_dim3A_146 = vector.shape_cast %eq3A_144 : vector<1280x1xi1> to vector<1280x1xi1>
    %broadcast_in_dim3A_147 = vector.broadcast %broadcast_in_dim3A_146 : vector<1280x1xi1> to vector<1280x256xi1>
    %broadcast_in_dim3A_148 = vector.broadcast %jit3A_145 : f32 to vector<1280x256xf32>
    %select_n3A_149 = arith.select %broadcast_in_dim3A_147, %add3A_125, %broadcast_in_dim3A_148 : vector<1280x256xi1>, vector<1280x256xf32>
    %add3A_150 = arith.addf %select_n3A_141, %select_n3A_149 : vector<1280x256xf32>
    %eq3A_151 = arith.constant 2.000000e+00 : f32
    %eq3A_152 = vector.broadcast %eq3A_151 : f32 to vector<1280x1xf32>
    %eq3A_153 = arith.cmpf oeq, %get3A_1, %eq3A_152 : vector<1280x1xf32>
    %jit3A_154 = arith.constant 0.000000e+00 : f32
    %broadcast_in_dim3A_155 = vector.shape_cast %eq3A_153 : vector<1280x1xi1> to vector<1280x1xi1>
    %broadcast_in_dim3A_156 = vector.broadcast %broadcast_in_dim3A_155 : vector<1280x1xi1> to vector<1280x256xi1>
    %broadcast_in_dim3A_157 = vector.broadcast %jit3A_154 : f32 to vector<1280x256xf32>
    %select_n3A_158 = arith.select %broadcast_in_dim3A_156, %add3A_133, %broadcast_in_dim3A_157 : vector<1280x256xi1>, vector<1280x256xf32>
    %add3A_159 = arith.addf %add3A_150, %select_n3A_158 : vector<1280x256xf32>
    %mul3A_160 = arith.constant 5.000000e-01 : f32
    %mul3A_161 = vector.broadcast %mul3A_160 : f32 to vector<1280x256xf32>
    %mul3A_162 = arith.mulf %mul3A_161, %add3A_159 : vector<1280x256xf32>
    %mul3A_163 = arith.constant 0.707106769 : f32
    %mul3A_164 = vector.broadcast %mul3A_163 : f32 to vector<1280x256xf32>
    %mul3A_165 = arith.mulf %add3A_159, %mul3A_164 : vector<1280x256xf32>
    %erf3A_166 = math.erf %mul3A_165 : vector<1280x256xf32>
    %add3A_167 = arith.constant 1.000000e+00 : f32
    %add3A_168 = vector.broadcast %add3A_167 : f32 to vector<1280x256xf32>
    %add3A_169 = arith.addf %add3A_168, %erf3A_166 : vector<1280x256xf32>
    %mul3A_170 = arith.mulf %mul3A_162, %add3A_169 : vector<1280x256xf32>
    %get3A_171 = arith.constant 0 : index
    %get3A_172 = arith.constant 0 : index
    %get3A_173 = vector.load %arg10[%get3A_171, %get3A_172] : memref<256x3xf32, #tpu.memory_space<vmem>>, vector<256x3xf32>
    %dot_general3A_174 = arith.constant dense<0.000000e+00> : vector<1280x3xf32>
    %dot_general3A_175 = tpu.matmul %mul3A_170, %get3A_173, %dot_general3A_174 {dimension_numbers = #tpu.dot_dimension_numbers<[1], [0], [0], [1], [0, 0, 1, 1], [], []>, transpose_lhs_hint = false} : vector<1280x256xf32>, vector<256x3xf32>, vector<1280x3xf32> -> vector<1280x3xf32>
    %slice3A_176 = vector.extract_strided_slice %dot_general3A_175 {offsets = [0, 0], sizes = [1280, 1], strides = [1, 1]} : vector<1280x3xf32> to vector<1280x1xf32>
    %get3A_177 = arith.constant 0 : index
    %get3A_178 = arith.constant 0 : index
    %get3A_179 = vector.load %arg11[%get3A_177, %get3A_178] : memref<3x1xf32, #tpu.memory_space<vmem>>, vector<1x1xf32>
    %get3A_180 = vector.extract %get3A_179[0, 0] : f32 from vector<1x1xf32>
    %add3A_181 = vector.broadcast %get3A_180 : f32 to vector<1280x1xf32>
    %add3A_182 = arith.addf %slice3A_176, %add3A_181 : vector<1280x1xf32>
    %slice3A_183 = vector.extract_strided_slice %dot_general3A_175 {offsets = [0, 1], sizes = [1280, 1], strides = [1, 1]} : vector<1280x3xf32> to vector<1280x1xf32>
    %get3A_184 = arith.constant 1 : index
    %get3A_185 = arith.constant 0 : index
    %get3A_186 = vector.load %arg11[%get3A_184, %get3A_185] : memref<3x1xf32, #tpu.memory_space<vmem>>, vector<1x1xf32>
    %get3A_187 = vector.extract %get3A_186[0, 0] : f32 from vector<1x1xf32>
    %add3A_188 = vector.broadcast %get3A_187 : f32 to vector<1280x1xf32>
    %add3A_189 = arith.addf %slice3A_183, %add3A_188 : vector<1280x1xf32>
    %slice3A_190 = vector.extract_strided_slice %dot_general3A_175 {offsets = [0, 2], sizes = [1280, 1], strides = [1, 1]} : vector<1280x3xf32> to vector<1280x1xf32>
    %get3A_191 = arith.constant 2 : index
    %get3A_192 = arith.constant 0 : index
    %get3A_193 = vector.load %arg11[%get3A_191, %get3A_192] : memref<3x1xf32, #tpu.memory_space<vmem>>, vector<1x1xf32>
    %get3A_194 = vector.extract %get3A_193[0, 0] : f32 from vector<1x1xf32>
    %add3A_195 = vector.broadcast %get3A_194 : f32 to vector<1280x1xf32>
    %add3A_196 = arith.addf %slice3A_190, %add3A_195 : vector<1280x1xf32>
    %eq3A_197 = arith.constant 0.000000e+00 : f32
    %eq3A_198 = vector.broadcast %eq3A_197 : f32 to vector<1280x1xf32>
    %eq3A_199 = arith.cmpf oeq, %get3A_1, %eq3A_198 : vector<1280x1xf32>
    %jit3A_200 = arith.constant 0.000000e+00 : f32
    %broadcast_in_dim3A_201 = vector.broadcast %jit3A_200 : f32 to vector<1280x1xf32>
    %select_n3A_202 = arith.select %eq3A_199, %add3A_182, %broadcast_in_dim3A_201 : vector<1280x1xi1>, vector<1280x1xf32>
    %eq3A_203 = arith.constant 1.000000e+00 : f32
    %eq3A_204 = vector.broadcast %eq3A_203 : f32 to vector<1280x1xf32>
    %eq3A_205 = arith.cmpf oeq, %get3A_1, %eq3A_204 : vector<1280x1xf32>
    %jit3A_206 = arith.constant 0.000000e+00 : f32
    %broadcast_in_dim3A_207 = vector.broadcast %jit3A_206 : f32 to vector<1280x1xf32>
    %select_n3A_208 = arith.select %eq3A_205, %add3A_189, %broadcast_in_dim3A_207 : vector<1280x1xi1>, vector<1280x1xf32>
    %add3A_209 = arith.addf %select_n3A_202, %select_n3A_208 : vector<1280x1xf32>
    %eq3A_210 = arith.constant 2.000000e+00 : f32
    %eq3A_211 = vector.broadcast %eq3A_210 : f32 to vector<1280x1xf32>
    %eq3A_212 = arith.cmpf oeq, %get3A_1, %eq3A_211 : vector<1280x1xf32>
    %jit3A_213 = arith.constant 0.000000e+00 : f32
    %broadcast_in_dim3A_214 = vector.broadcast %jit3A_213 : f32 to vector<1280x1xf32>
    %select_n3A_215 = arith.select %eq3A_212, %add3A_196, %broadcast_in_dim3A_214 : vector<1280x1xi1>, vector<1280x1xf32>
    %add3A_216 = arith.addf %add3A_209, %select_n3A_215 : vector<1280x1xf32>
    %swap3A = arith.constant 0 : index
    %swap3A_217 = arith.constant 0 : index
    %swap3A_218 = vector.load %arg12[%swap3A, %swap3A_217] : memref<1280x1xf32, #tpu.memory_space<vmem>>, vector<1280x1xf32>
    tpu.vector_store %arg12[%swap3A, %swap3A_217], %add3A_216 {strides = array<i32>} : memref<1280x1xf32, #tpu.memory_space<vmem>>, vector<1280x1xf32>,
    %get3A_219 = arith.constant 0 : index
    %get3A_220 = arith.constant 0 : index
    %get3A_221 = vector.load %arg5[%get3A_219, %get3A_220] : memref<1280x1xf32, #tpu.memory_space<vmem>>, vector<1280x1xf32>
    %add3A_222 = arith.addf %get3A_221, %add3A_216 : vector<1280x1xf32>
    %tanh3A = math.tanh %add3A_222 : vector<1280x1xf32>
    %swap3A_223 = arith.constant 0 : index
    %swap3A_224 = arith.constant 0 : index
    %swap3A_225 = vector.load %arg13[%swap3A_223, %swap3A_224] : memref<1280x1xf32, #tpu.memory_space<vmem>>, vector<1280x1xf32>
    tpu.vector_store %arg13[%swap3A_223, %swap3A_224], %tanh3A {strides = array<i32>} : memref<1280x1xf32, #tpu.memory_space<vmem>>, vector<1280x1xf32>,
    return
  }
  func.func @transform_0(%arg0: i32) -> (i32, i32) {
    %c0_i32 = arith.constant 0 : i32
    %c0_i32_0 = arith.constant 0 : i32
    return %arg0, %c0_i32 : i32, i32
  }
  func.func @transform_1(%arg0: i32) -> (i32, i32) {
    %c0_i32 = arith.constant 0 : i32
    %c0_i32_0 = arith.constant 0 : i32
    return %arg0, %c0_i32 : i32, i32
  }
  func.func @transform_2(%arg0: i32) -> (i32, i32) {
    %add3A = arith.constant 0 : i32
    %add3A_0 = arith.addi %arg0, %add3A : i32
    %c0_i32 = arith.constant 0 : i32
    %c0_i32_1 = arith.constant 0 : i32
    return %add3A_0, %c0_i32 : i32, i32
  }
  func.func @transform_3(%arg0: i32) -> (i32, i32) {
    %add3A = arith.constant 0 : i32
    %add3A_0 = arith.addi %arg0, %add3A : i32
    %c0_i32 = arith.constant 0 : i32
    %c0_i32_1 = arith.constant 0 : i32
    return %add3A_0, %c0_i32 : i32, i32
  }
  func.func @transform_4(%arg0: i32) -> (i32, i32) {
    %add3A = arith.constant 0 : i32
    %add3A_0 = arith.addi %arg0, %add3A : i32
    %c0_i32 = arith.constant 0 : i32
    %c0_i32_1 = arith.constant 0 : i32
    return %add3A_0, %c0_i32 : i32, i32
  }
  func.func @transform_5(%arg0: i32) -> (i32, i32) {
    %c0_i32 = arith.constant 0 : i32
    %c0_i32_0 = arith.constant 0 : i32
    %c0_i32_1 = arith.constant 0 : i32
    return %c0_i32, %c0_i32_0 : i32, i32
  }
  func.func @transform_6(%arg0: i32) -> (i32, i32) {
    %c0_i32 = arith.constant 0 : i32
    %c0_i32_0 = arith.constant 0 : i32
    %c0_i32_1 = arith.constant 0 : i32
    return %c0_i32, %c0_i32_0 : i32, i32
  }
  func.func @transform_7(%arg0: i32) -> (i32, i32) {
    %c0_i32 = arith.constant 0 : i32
    %c0_i32_0 = arith.constant 0 : i32
    %c0_i32_1 = arith.constant 0 : i32
    return %c0_i32, %c0_i32_0 : i32, i32
  }
  func.func @transform_8(%arg0: i32) -> (i32, i32) {
    %c0_i32 = arith.constant 0 : i32
    %c0_i32_0 = arith.constant 0 : i32
    %c0_i32_1 = arith.constant 0 : i32
    return %c0_i32, %c0_i32_0 : i32, i32
  }
  func.func @transform_9(%arg0: i32) -> (i32, i32) {
    %c0_i32 = arith.constant 0 : i32
    %c0_i32_0 = arith.constant 0 : i32
    %c0_i32_1 = arith.constant 0 : i32
    return %c0_i32, %c0_i32_0 : i32, i32
  }
  func.func @transform_10(%arg0: i32) -> (i32, i32) {
    %c0_i32 = arith.constant 0 : i32
    %c0_i32_0 = arith.constant 0 : i32
    %c0_i32_1 = arith.constant 0 : i32
    return %c0_i32, %c0_i32_0 : i32, i32
  }
  func.func @transform_11(%arg0: i32) -> (i32, i32) {
    %c0_i32 = arith.constant 0 : i32
    %c0_i32_0 = arith.constant 0 : i32
    return %arg0, %c0_i32 : i32, i32
  }
  func.func @transform_12(%arg0: i32) -> (i32, i32) {
    %c0_i32 = arith.constant 0 : i32
    %c0_i32_0 = arith.constant 0 : i32
    return %arg0, %c0_i32 : i32, i32
  }
}

</mosaic_0001>

<sc_bundles>
// kernel: kernel.5.cloned.1.call-start
scs
__scs_entry_jumppad:
0x0: {  	(pc) =	sbr.rel $0x88, $3  }
0x1: {  	(tag) =	ssettag $0x0;
	lr =	simm.s32 $0x1  }
0x2: {  	[smem:$0x3F96] =	sst lr;
	_ =	strace $0xD0000000  }
0x3: {  	_ = 	snop  }
0x4: {  	_ = 	snop  }
0x5: {  	_ = 	snop  }
0x6: {  	_ = 	snop  }
0x7: {  	_ = 	snop  }
__scs_overlays_trampoline_lowered:
0x8: {  	[smem:$0x3FA5] =	sst s0  }
0x9: {  	[smem:$0x3FA6] =	sst s1  }
0xa: {  	[smem:$0x3FA7] =	sst s2  }
0xb: {  	[smem:$0x3FA8] =	sst s3  }
0xc: {  	[smem:$0x3FA9] =	sst s4  }
0xd: {  	[smem:$0x3FAA] =	sst s5  }
0xe: {  	[smem:$0x3FAB] =	sst s6  }
0xf: {  	[smem:$0x3FAC] =	sst s7  }
0x10: {  	[smem:$0x3FAD] =	sst s8  }
0x11: {  	[smem:$0x3FAE] =	sst s9;
	s0 =	simm.s32 @!p0 $0x0  }
0x12: {  	s1 =	sld [smem:$0x3F94];
	s0 =	simm.s32 @p0 $0x1  }
0x13: {  	[smem:$0x3FAF] =	sst s0;
	s0 =	simm.s32 @!p1 $0x0  }
0x14: {  	s2 =	sld [smem:$0x3F93];
	s0 =	simm.s32 @p1 $0x1  }
0x15: {  	[smem:$0x3FB0] =	sst s0;
	s0 =	simm.s32 @!p2 $0x0  }
0x16: {  	s3 =	sld [smem:$0x3FDB];
	s0 =	simm.s32 @p2 $0x1  }
0x17: {  	s4 =	simm.s32 $0x1BF5;
	[smem:$0x3FB2] =	sst s0  }
0x18: {  	s0 =	sld [smem:$0x3F95];
	_ =	swait.ge [sflag:s4], $0x0  }
0x19: {  	s7 =	sld [smem:$0x3F96]  }
0x1a: {  	s8 =	sadd.s32 $0xFFFFE003, lr  }
0x1b: {  	s9 =	sadd.s32 $0xFFFFFEF7, lr;
	s5 =	simm.s32 $0xFFFFFFFF;
	p2 =	slt.u32 s8, $0xFFFFF086  }
0x1c: {  	p1 =	slt.u32 s9, $0xF7A;
	s5 =	simm.s32 @!p2 $0x0  }
0x1d: {  	s5 =	simm.s32 @p1 $0x1;
	p0 =	seq.s32 s7, s2  }
0x1e: {  	s7 =	smul.u32 @!p0 $0xF7A, s2;
	p2 =	seq.s32 @!p0 s5, $0x0  }
0x1f: {  	s9 =	smul.u32 $0xF7A, s1;
	s8 =	simm.s32 @!p0 $0x1BF5;
	p2 =	por !p2, p0  }
0x20: {  	[sflag:s8] =	ssyncset.s32 @!p0 $0xFFFFF086;
	s6 =	sadd.s32 @!p0 s3, s7;
	s7 =	simm.s32 @!p0 $0x108  }
0x21: {  	s3 =	sadd.s32 s3, s9;
	s6 =	sadd.s32 @!p0 $0x88, s6;
	s7 =	simm.s32 @p2 $0x1082  }
0x22: {  	[simem:s7], [sflag:s8] =	dma.local @!p0 [hbm:s6], $0xF7A  }
0x23: {  	s9 =	sor.u32 $0xD0000000, s2;
	s6 =	simm.s32 $0x108;
	_ =	swait.ge @!p0 [sflag:s8], $0x0  }
0x24: {  	s3 =	sadd.s32 $0x88, s3;
	s6 =	simm.s32 @!p1 $0x1082;
	[sflag:s4] =	ssyncset.s32 $0xFFFFF086  }
0x25: {  	[simem:s6], [sflag:s4] =	dma.local [hbm:s3], $0xF7A  }
0x26: {  	[smem:$0x3F96] =	sst s1;
	(tag) =	ssettag s2;
	_ =	strace s9  }
0x27: {  	s1 =	sld [smem:$0x3FA6]  }
0x28: {  	s2 =	sld [smem:$0x3FA7]  }
0x29: {  	s4 =	sld [smem:$0x3FA9]  }
0x2a: {  	p0 =	seq.s32 s5, $0x0;
	s5 =	sld [smem:$0x3FAA]  }
0x2b: {  	s6 =	sld [smem:$0x3FAB]  }
0x2c: {  	s7 =	sld [smem:$0x3FAC]  }
0x2d: {  	s3 =	simm.s32 $0x108;
	s8 =	sld [smem:$0x3FAD]  }
0x2e: {  	s3 =	simm.s32 @!p0 $0x1082;
	s9 =	sld [smem:$0x3FAE]  }
0x2f: {  	lr =	sadd.s32 s0, s3;
	s0 =	sld [smem:$0x3FA5]  }
0x30: {  	s3 =	sld [smem:$0x3FA8]  }
0x31: {  	[smem:$0x3FB1] =	sst s10  }
0x32: {  	s10 =	sld [smem:$0x3FAF];
	_ =	sdelay $0x3  }
0x33: {  	p0 =	seq.s32 s10, $0x1;
	s10 =	sld [smem:$0x3FB1];
	_ =	sdelay $0x3  }
0x34: {  	[smem:$0x3FB1] =	sst s10  }
0x35: {  	s10 =	sld [smem:$0x3FB0];
	_ =	sdelay $0x3  }
0x36: {  	p1 =	seq.s32 s10, $0x1;
	s10 =	sld [smem:$0x3FB1];
	_ =	sdelay $0x3  }
0x37: {  	[smem:$0x3FB1] =	sst s10  }
0x38: {  	s10 =	sld [smem:$0x3FB2]  }
0x39: {  	_ = 	snop;
	(pc) =	sbr.ind lr, $3  }
0x3a: {  	_ = 	snop  }
0x3b: {  	_ = 	snop  }
0x3c: {  	p2 =	seq.s32 s10, $0x1;
	s10 =	sld [smem:$0x3FB1]  }
0x3d: {  	_ =	shalt  }
0x3e: {  	_ =	shalt  }
0x3f: {  	_ =	shalt  }
0x40: {  	_ =	shalt  }
0x41: {  	_ =	shalt  }
0x42: {  	_ =	shalt  }
0x43: {  	_ =	shalt  }
0x44: {  	_ =	shalt  }
0x45: {  	_ =	shalt  }
0x46: {  	_ =	shalt  }
0x47: {  	_ =	shalt  }
0x48: {  	_ =	shalt  }
0x49: {  	_ =	shalt  }
0x4a: {  	_ =	shalt  }
0x4b: {  	_ =	shalt  }
0x4c: {  	_ =	shalt  }
0x4d: {  	_ =	shalt  }
0x4e: {  	_ =	shalt  }
0x4f: {  	_ =	shalt  }
0x50: {  	_ =	shalt  }
0x51: {  	_ =	shalt  }
0x52: {  	_ =	shalt  }
0x53: {  	_ =	shalt  }
0x54: {  	_ =	shalt  }
0x55: {  	_ =	shalt  }
0x56: {  	_ =	shalt  }
0x57: {  	_ =	shalt  }
0x58: {  	_ =	shalt  }
0x59: {  	_ =	shalt  }
0x5a: {  	_ =	shalt  }
0x5b: {  	_ =	shalt  }
0x5c: {  	_ =	shalt  }
0x5d: {  	_ =	shalt  }
0x5e: {  	_ =	shalt  }
0x5f: {  	_ =	shalt  }
0x60: {  	_ =	shalt  }
0x61: {  	_ =	shalt  }
0x62: {  	_ =	shalt  }
0x63: {  	_ =	shalt  }
0x64: {  	_ =	shalt  }
0x65: {  	_ =	shalt  }
0x66: {  	_ =	shalt  }
0x67: {  	_ =	shalt  }
0x68: {  	_ =	shalt  }
0x69: {  	_ =	shalt  }
0x6a: {  	_ =	shalt  }
0x6b: {  	_ =	shalt  }
0x6c: {  	_ =	shalt  }
0x6d: {  	_ =	shalt  }
0x6e: {  	_ =	shalt  }
0x6f: {  	_ =	shalt  }
0x70: {  	_ =	shalt  }
0x71: {  	_ =	shalt  }
0x72: {  	_ =	shalt  }
0x73: {  	_ =	shalt  }
0x74: {  	_ =	shalt  }
0x75: {  	_ =	shalt  }
0x76: {  	_ =	shalt  }
0x77: {  	_ =	shalt  }
0x78: {  	_ =	shalt  }
0x79: {  	_ =	shalt  }
0x7a: {  	_ =	shalt  }
0x7b: {  	_ =	shalt  }
0x7c: {  	_ =	shalt  }
0x7d: {  	_ =	shalt  }
0x7e: {  	_ =	shalt  }
0x7f: {  	_ =	shalt  }
0x80: {  	_ =	shalt  }
0x81: {  	_ =	shalt  }
0x82: {  	_ =	shalt  }
0x83: {  	_ =	shalt  }
0x84: {  	_ =	shalt  }
0x85: {  	_ =	shalt  }
0x86: {  	_ =	shalt  }
0x87: {  	_ =	shalt  }
.Lfunc_end0:
.L_simem_size_0:
called_computation_lowered:
.L_overlay_start_0:
0x88: {  	s2 =	sld [smem:$0x3FD9]  }
0x89: {  	s3 =	sld [smem:$0x3FFE];
	_ =	sdelay $0x1  }
0x8a: {  	s1 =	srdreg.scid  }
0x8b: {  	s0 =	sand.u32 $0x1, s1  }
0x8c: {  	s16 =	sshll.u32 s0, $0xA;
	s2 =	sadd.s32 s3, s2  }
0x8d: {  	s2 =	sadd.s32 s2, s16  }
0x8e: {  	[smem:$0x3FBD] =	sst s2  }
0x8f: {  	_ = 	snop  }
0x90: {  	(tm) =	ssettm $0x1  }
0x91: {  	s17 =	sld [smem:$0x3FFB];
	_ =	sdelay $0x3  }
0x92: {  	_ =	strace s17  }
0x93: {  	s2 =	sld [smem:$0x3FFC];
	_ =	sdelay $0x3  }
0x94: {  	_ =	strace s2  }
0x95: {  	s2 =	sld [smem:$0x3FFD];
	_ =	sdelay $0x3  }
0x96: {  	_ =	strace s2  }
0x97: {  	_ =	strace $0x8FFFFFFF  }
0x98: {  	s18 =	sld [smem:$0x3FDB];
	_ =	sdelay $0x1  }
0x99: {  	s19 =	simm.s32 $_scs_section_size  }
0x9a: {  	s4 =	simm.s32 $_size__tile_overlayer_lowered;
	s5 =	simm.s32 $_tile_overlayer_lowered  }
0x9b: {  	s22 =	simm.s32 $0x1BFF;
	s21 =	sshll.u32 s5, $0x1;
	s2 =	sadd.s32 s19, s18  }
0x9c: {  	s6 =	simm.s32 $0x0;
	s20 =	sshll.u32 s4, $0x1;
	s4 =	sadd.s32 s21, s2  }
0x9d: {  	[timem:s6], [sflag:s22] =	dma.local [hbm:s4], s20  }
0x9e: {  	_ =	swait.ge [sflag:s22], s20  }
0x9f: {  	s3 =	ssub.s32 $0x0, s20;
	[sflag:s22] =	ssyncset.done $0x0  }
0xa0: {  	[sflag:s22] =	ssyncadd.s32 s3;
	_ =	sdelay $0x1  }
0xa1: {  	s23 =	simm.s32 $0x1B8B  }
0xa2: {  	_ =	swait.ge [sflag:s23], $0x1  }
0xa3: {  	[sflag:s23] =	ssyncset.done $0x0  }
0xa4: {  	s25 =	simm.s32 $0x1B8E;
	s24 =	sld [smem:$0x3FFE];
	[sflag:s23] =	ssyncadd.s32 $0xFFFFFFFF  }
0xa5: {  	s26 =	simm.s32 $execute0_lowered;
	[smem:$0x3FD2] =	sst s25  }
0xa6: {  	s4 =	sshll.u32 s26, $0x1;
	_ =	strace $0x80000046;
	[dreg:$0x1] =	wrdreg $0xFFFFFFFF  }
0xa7: {  	s28 =	simm.s32 $_size_execute0_lowered;
	s2 =	sadd.s32 s2, s4;
	[dreg:$0x0] =	wrdreg $0x0  }
0xa8: {  	s4 =	sshll.u32 s28, $0x1;
	[dreg:$0x2] =	wrdreg s2  }
0xa9: {  	[dreg:$0x3] =	wrdreg s4  }
0xaa: {  	[dreg:$0x4] =	wrdreg $0xC0  }
0xab: {  	_ =	task [dreg:s6], $0x5FFFF  }
0xac: {  	[dreg:$0x1] =	wrdreg $0xFFFFFFFF  }
0xad: {  	[dreg:$0x0] =	wrdreg $0x60  }
0xae: {  	[dreg:$0x2] =	wrdreg s24  }
0xaf: {  	[dreg:$0x3] =	wrdreg $0x9  }
0xb0: {  	_ =	task.clear_ibuf [dreg:s6], $0x4FFFF;
	_ =	strace $0x90000046  }
0xb1: {  	s29 =	simm.s32 $0x9;
	_ =	strace $0x80000048  }
0xb2: {  	_ =	swait.ge [sflag:s29], $0x1  }
0xb3: {  	[sflag:s29] =	ssyncadd.s32 $0xFFFFFFFF  }
0xb4: {  	_ =	strace $0x90000048  }
0xb5: {  	_ =	sfence  }
0xb6: {  	s30 =	sld [smem:$0x0];
	_ =	sdelay $0x2  }
0xb7: {  	s31 =	sshll.u32 s1, $0xD;
	s1 =	sshrl.u32 s1, $0x2  }
0xb8: {  	s3 =	sand.u32 $0x4000, s31;
	s1 =	sadd.s32 s1, s30  }
0xb9: {  	s0 =	sor.u32 s3, s0;
	s1 =	sshll.u32 s1, $0x11  }
0xba: {  	s0 =	sor.u32 s1, s0  }
0xbb: {  	s0 =	sadd.s32 $0x8F2B, s0  }
0xbc: {  	[sflag:s0] =	ssyncadd.remote.s32 $0x1  }
0xbd: {  	_ =	sfence.sel $0xFFFF  }
0xbe: {  	[dreg:$0x0] =	wrdreg $0xFFFFFFFF;
	(pc) =	sbr.abs _section_cstart, $3  }
0xbf: {  	[dreg:$0x1] =	wrdreg $0xFFFFFFFF  }
0xc0: {  	_ =	task.clear_ibuf [dreg:s6], $0x2FFFF;
	_ =	strace $0x9FFFFFFF  }
0xc1: {  	(tm) =	ssettm $0x7FFFFFFF  }
tec
execute0_lowered:
.L_overlay_start_1:
0x0: {  	(tag) =	ssettag $0x1  }
0x1: {  	s1 =	srdreg.scid  }
0x2: {  	s0 =	stileid.u32;
	s4 =	rddreg [dreg:$0x0]  }
0x3: {  	s2 =	simm.s32 $0x0;
	s11 =	simm.s32 $0x1400;
	s12 =	simm.s32 $0x2800  }
0x4: {  	s13 =	simm.s32 $0x80;
	s14 =	simm.s32 $0x3C00;
	s15 =	simm.s32 $0x6500  }
0x5: {  	s16 =	simm.s32 $0x5080;
	s17 =	simm.s32 $0xA500;
	s18 =	simm.s32 $0xE500  }
0x6: {  	s19 =	simm.s32 $0x12500;
	s20 =	simm.s32 $0x1;
	s21 =	simm.s32 $0x2  }
0x7: {  	s22 =	simm.s32 $0x3;
	s23 =	simm.s32 $0x4;
	s24 =	simm.s32 $0x0  }
0x8: {  	s5 =	sand.u32 $0x1, s1;
	s3 =	sshll.u32 s0, $0x1;
	s1 =	rddreg [dreg:$0x1]  }
0x9: {  	[smem:$0x7FF] =	sst s2;
	s7 =	smul.u32 $0x28000, s0;
	s3 =	sor.u32 s5, s3  }
0xa: {  	_ =	strace $0x80000047;
	s8 =	ssub.s32 $0x2, s5;
	s10 =	smul.u32 $0x14000, s5  }
0xb: {  	s6 =	smul.u32 $0x1400, s3;
	s9 =	sshrl.u32 s8, $0x1;
	s7 =	sadd.s32 s7, s4  }
0xc: {  	s3 =	sadd.s32 $0xF600, s4;
	s8 =	ssub.s32 s8, s9;
	s31 =	sadd.s32 s10, s7  }
0xd: {  	s10 =	simm.s32 $0x5;
	s6 =	sshrl.u32 s6, $0x3;
	s7 =	smax.u32 s8, $0x1  }
0xe: {  	s8 =	sadd.s32 $0xF9C00, s31;
	s9 =	sadd.s32 $0x379C00, s31;
	s6 =	sadd.s32 s6, s4  }
0xf: {  	v0 =	vimm.s32 $0x0;
	s4 =	sadd.s32 $0xA600, s6;
	s5 =	sadd.s32 $0x5600, s6;
	s6 =	sadd.s32 $0x600, s6  }
.LBB2_1:
0x10: {  	[tilespmem:s2], [sflag:$0x5] =	stream.linear.gather [hbm4b:s4+s2], $0x1400, $0x38;
	[tilespmem:$0x16500] =	vst v63  }
0x11: {  	_ =	swait.ge [sflag:s10], $0x1400  }
0x12: {  	[sflag:s10] =	ssyncset.done $0x0  }
0x13: {  	[sflag:s10] =	ssyncadd.s32 $0xFFFFEC00  }
0x14: {  	[tilespmem:s11], [sflag:$0x5] =	stream.linear.gather [hbm4b:s5+s2], $0x1400, $0x38;
	[tilespmem:$0x16500] =	vst v63  }
0x15: {  	_ =	swait.ge [sflag:s10], $0x1400  }
0x16: {  	[sflag:s10] =	ssyncset.done $0x0  }
0x17: {  	[sflag:s10] =	ssyncadd.s32 $0xFFFFEC00  }
0x18: {  	[tilespmem:s12], [sflag:$0x5] =	stream.linear.gather [hbm4b:s6+s2], $0x1400, $0x38;
	[tilespmem:$0x16500] =	vst v63  }
0x19: {  	_ =	swait.ge [sflag:s10], $0x1400  }
0x1a: {  	[sflag:s10] =	ssyncset.done $0x0  }
0x1b: {  	s25 =	simm.s32 $0x0;
	[sflag:s10] =	ssyncadd.s32 $0xFFFFEC00  }
0x1c: {  	v2 =	vld [tilespmem:s25+$0x2800]  }
0x1d: {  	v1 =	vld [tilespmem:s25+$0x0]  }
0x1e: {  	v3 =	vld [tilespmem:s25+$0x1400]  }
0x1f: {  	s26 =	simm.s32 $0x40  }
.LBB2_2:
0x20: {  	p0 =	sne.s32 s26, $0x4FC0  }
.Ltmp0:
0x21: {  	s28 =	sshra.s32 s26, $0x2;
	s26 =	sadd.s32 $0x40, s26;
	v4 =	vmul.u32 $0x2710, v2;
	(pc) =	sbr.rel @p0 .LBB2_2-.Ltmp0, $4  }
0x22: {  	v2 =	vld [tilespmem:s28+$0x2800]  }
0x23: {  	v5 =	vadd.s32 v1, v4;
	v1 =	vld [tilespmem:s28+$0x0];
	v4 =	vadd.s32 v3, v4  }
0x24: {  	v3 =	vld [tilespmem:s28+$0x1400];
	[tilespmem:s25+$0x3C00] =	vst v5;
	v4 =	vadd.s32 $0x7530, v4  }
0x25: {  	[tilespmem:s25+$0x5080] =	vst v4;
	s25 =	smov.u32 s28  }
0x26: {  	_ = 	snop  }
0x27: {  	v2 =	vmul.u32 $0x2710, v2;
	_ =	sdelay $0x1  }
0x28: {  	v1 =	vadd.s32 v1, v2;
	v2 =	vadd.s32 v3, v2  }
0x29: {  	[tilespmem:s25+$0x3C00] =	vst v1;
	v1 =	vadd.s32 $0x7530, v2  }
0x2a: {  	[tilespmem:s25+$0x5080] =	vst v1  }
0x2b: {  	[tilespmem:$0x5000] =	vst v0  }
0x2c: {  	[tilespmem:$0x6480] =	vst v0  }
0x2d: {  	[tilespmem:$0x5010] =	vst v0  }
0x2e: {  	[tilespmem:$0x6490] =	vst v0  }
0x2f: {  	[tilespmem:$0x5020] =	vst v0  }
0x30: {  	[tilespmem:$0x64A0] =	vst v0  }
0x31: {  	[tilespmem:$0x5030] =	vst v0  }
0x32: {  	[tilespmem:$0x64B0] =	vst v0  }
0x33: {  	[tilespmem:$0x5040] =	vst v0  }
0x34: {  	[tilespmem:$0x64C0] =	vst v0  }
0x35: {  	[tilespmem:$0x5050] =	vst v0  }
0x36: {  	[tilespmem:$0x64D0] =	vst v0  }
0x37: {  	[tilespmem:$0x5060] =	vst v0  }
0x38: {  	[tilespmem:$0x64E0] =	vst v0  }
0x39: {  	[tilespmem:$0x5070] =	vst v0  }
0x3a: {  	[tilespmem:$0x64F0] =	vst v0  }
0x3b: {  	[tilespmem:s15], [sflag:$0x1] =	stream.indirect.gather [hbm4b:s3+s13], $0x80, s14, s13, $0xb8;
	[tilespmem:$0x16500] =	vst v63  }
0x3c: {  	_ = 	snop  }
0x3d: {  	[tilespmem:s17], [sflag:$0x2] =	stream.indirect.gather [hbm4b:s3+s13], $0x80, s16, s13, $0xb8;
	[tilespmem:$0x16500] =	vst v63  }
0x3e: {  	s25 =	simm.s32 $0x3C80  }
0x3f: {  	[tilespmem:s18], [sflag:$0x3] =	stream.indirect.gather [hbm4b:s3+s13], $0x80, s25, s13, $0xb8;
	[tilespmem:$0x16500] =	vst v63  }
0x40: {  	s26 =	simm.s32 $0x5100  }
0x41: {  	[tilespmem:s19], [sflag:$0x4] =	stream.indirect.gather [hbm4b:s3+s13], $0x80, s26, s13, $0xb8;
	[tilespmem:$0x16500] =	vst v63  }
0x42: {  	_ =	swait.ge [sflag:s20], $0x4000  }
0x43: {  	[sflag:s20] =	ssyncset.done $0x0  }
0x44: {  	[sflag:s20] =	ssyncadd.s32 $0xFFFFC000  }
0x45: {  	_ =	swait.ge [sflag:s21], $0x4000  }
0x46: {  	[sflag:s21] =	ssyncset.done $0x0  }
0x47: {  	s28 =	sadd.s32 $0x0, s8;
	[sflag:s21] =	ssyncadd.s32 $0xFFFFC000  }
0x48: {  	[hbm4b:s28+s2] =	stream.linear.scatter [tilespmem:s15], [sflag:$0x5], $0x4000, $0x38;
	[tilespmem:$0x16500] =	vst v63  }
0x49: {  	_ =	swait.ge [sflag:s10], $0x4000  }
0x4a: {  	[sflag:s10] =	ssyncset.done $0x0  }
0x4b: {  	s29 =	sadd.s32 $0x0, s9;
	[sflag:s10] =	ssyncadd.s32 $0xFFFFC000  }
0x4c: {  	[hbm4b:s29+s2] =	stream.linear.scatter [tilespmem:s17], [sflag:$0x5], $0x4000, $0x38;
	[tilespmem:$0x16500] =	vst v63  }
0x4d: {  	_ =	swait.ge [sflag:s10], $0x4000  }
0x4e: {  	[sflag:s10] =	ssyncset.done $0x0  }
0x4f: {  	s30 =	simm.s32 $0x3D00;
	[sflag:s10] =	ssyncadd.s32 $0xFFFFC000  }
0x50: {  	[tilespmem:s15], [sflag:$0x1] =	stream.indirect.gather [hbm4b:s3+s13], $0x80, s30, s13, $0xb8;
	[tilespmem:$0x16500] =	vst v63  }
0x51: {  	s31 =	simm.s32 $0x5180  }
0x52: {  	[tilespmem:s17], [sflag:$0x2] =	stream.indirect.gather [hbm4b:s3+s13], $0x80, s31, s13, $0xb8;
	[tilespmem:$0x16500] =	vst v63  }
0x53: {  	_ =	swait.ge [sflag:s22], $0x4000  }
0x54: {  	[sflag:s22] =	ssyncset.done $0x0  }
0x55: {  	[sflag:s22] =	ssyncadd.s32 $0xFFFFC000  }
0x56: {  	_ =	swait.ge [sflag:s23], $0x4000  }
0x57: {  	[sflag:s23] =	ssyncset.done $0x0  }
0x58: {  	s28 =	sadd.s32 $0x800, s28;
	[sflag:s23] =	ssyncadd.s32 $0xFFFFC000  }
0x59: {  	[hbm4b:s28+s2] =	stream.linear.scatter [tilespmem:s18], [sflag:$0x5], $0x4000, $0x38;
	[tilespmem:$0x16500] =	vst v63  }
0x5a: {  	_ =	swait.ge [sflag:s10], $0x4000  }
0x5b: {  	[sflag:s10] =	ssyncset.done $0x0  }
0x5c: {  	s28 =	sadd.s32 $0x800, s29;
	[sflag:s10] =	ssyncadd.s32 $0xFFFFC000  }
0x5d: {  	[hbm4b:s28+s2] =	stream.linear.scatter [tilespmem:s19], [sflag:$0x5], $0x4000, $0x38;
	[tilespmem:$0x16500] =	vst v63  }
0x5e: {  	_ =	swait.ge [sflag:s10], $0x4000  }
0x5f: {  	s28 =	simm.s32 $0x1000;
	[sflag:s10] =	ssyncset.done $0x0  }
.LBB2_4:
0x60: {  	[sflag:s10] =	ssyncadd.s32 $0xFFFFC000;
	s25 =	sadd.s32 $0x100, s25;
	s26 =	sadd.s32 $0x100, s26  }
0x61: {  	[tilespmem:s18], [sflag:$0x3] =	stream.indirect.gather [hbm4b:s3+s13], $0x80, s25, s13, $0xb8;
	[tilespmem:$0x16500] =	vst v63  }
0x62: {  	p0 =	sne.s32 s28, $0x13000;
	s29 =	smov.u32 s28;
	s28 =	sadd.s32 $0x1000, s28  }
0x63: {  	[tilespmem:s19], [sflag:$0x4] =	stream.indirect.gather [hbm4b:s3+s13], $0x80, s26, s13, $0xb8;
	[tilespmem:$0x16500] =	vst v63  }
0x64: {  	_ =	swait.ge [sflag:s20], $0x4000  }
0x65: {  	[sflag:s20] =	ssyncset.done $0x0  }
0x66: {  	[sflag:s20] =	ssyncadd.s32 $0xFFFFC000  }
0x67: {  	_ =	swait.ge [sflag:s21], $0x4000  }
0x68: {  	[sflag:s21] =	ssyncset.done $0x0  }
0x69: {  	s30 =	sadd.s32 s29, s8;
	[sflag:s21] =	ssyncadd.s32 $0xFFFFC000  }
0x6a: {  	[hbm4b:s30+s2] =	stream.linear.scatter [tilespmem:s15], [sflag:$0x5], $0x4000, $0x38;
	[tilespmem:$0x16500] =	vst v63  }
0x6b: {  	_ =	swait.ge [sflag:s10], $0x4000  }
0x6c: {  	[sflag:s10] =	ssyncset.done $0x0  }
0x6d: {  	s29 =	sadd.s32 s29, s9;
	[sflag:s10] =	ssyncadd.s32 $0xFFFFC000  }
0x6e: {  	[hbm4b:s29+s2] =	stream.linear.scatter [tilespmem:s17], [sflag:$0x5], $0x4000, $0x38;
	[tilespmem:$0x16500] =	vst v63  }
0x6f: {  	_ =	swait.ge [sflag:s10], $0x4000  }
0x70: {  	[sflag:s10] =	ssyncset.done $0x0  }
0x71: {  	s31 =	sadd.s32 $0x80, s25;
	[sflag:s10] =	ssyncadd.s32 $0xFFFFC000  }
0x72: {  	[tilespmem:s15], [sflag:$0x1] =	stream.indirect.gather [hbm4b:s3+s13], $0x80, s31, s13, $0xb8;
	[tilespmem:$0x16500] =	vst v63  }
0x73: {  	s31 =	sadd.s32 $0x80, s26  }
0x74: {  	[tilespmem:s17], [sflag:$0x2] =	stream.indirect.gather [hbm4b:s3+s13], $0x80, s31, s13, $0xb8;
	[tilespmem:$0x16500] =	vst v63  }
0x75: {  	_ =	swait.ge [sflag:s22], $0x4000  }
0x76: {  	[sflag:s22] =	ssyncset.done $0x0  }
0x77: {  	[sflag:s22] =	ssyncadd.s32 $0xFFFFC000  }
0x78: {  	_ =	swait.ge [sflag:s23], $0x4000  }
0x79: {  	[sflag:s23] =	ssyncset.done $0x0  }
0x7a: {  	s30 =	sadd.s32 $0x800, s30;
	[sflag:s23] =	ssyncadd.s32 $0xFFFFC000  }
0x7b: {  	[hbm4b:s30+s2] =	stream.linear.scatter [tilespmem:s18], [sflag:$0x5], $0x4000, $0x38;
	[tilespmem:$0x16500] =	vst v63  }
0x7c: {  	_ =	swait.ge [sflag:s10], $0x4000  }
.Ltmp1:
0x7d: {  	[sflag:s10] =	ssyncset.done $0x0;
	(pc) =	sbr.rel @p0 .LBB2_4-.Ltmp1, $4  }
0x7e: {  	s29 =	sadd.s32 $0x800, s29;
	[sflag:s10] =	ssyncadd.s32 $0xFFFFC000  }
0x7f: {  	[hbm4b:s29+s2] =	stream.linear.scatter [tilespmem:s19], [sflag:$0x5], $0x4000, $0x38;
	[tilespmem:$0x16500] =	vst v63  }
0x80: {  	_ =	swait.ge [sflag:s10], $0x4000  }
0x81: {  	[sflag:s10] =	ssyncset.done $0x0  }
0x82: {  	[sflag:s10] =	ssyncadd.s32 $0xFFFFC000;
	s24 =	sadd.s32 $0x1, s24  }
0x83: {  	_ =	swait.ge [sflag:s20], $0x4000;
	p0 =	sne.s32 s24, s7  }
.Ltmp2:
0x84: {  	[sflag:s20] =	ssyncset.done $0x0;
	(pc) =	sbr.rel @p0 .LBB2_1-.Ltmp2, $4  }
0x85: {  	[sflag:s20] =	ssyncadd.s32 $0xFFFFC000  }
0x86: {  	_ =	swait.ge [sflag:s21], $0x4000  }
0x87: {  	[sflag:s21] =	ssyncset.done $0x0  }
0x88: {  	[sflag:s21] =	ssyncadd.s32 $0xFFFFC000  }
0x89: {  	_ =	sfence.sel $0x180000  }
0x8a: {  	[bflag:$0x0] =	sbarrier.arrive $0xFFFF  }
0x8b: {  	p0 =	sne.s32 s0, $0x0;
	_ =	strace $0x90000047  }
0x8c: {  	s0 =	sadd.s32 @!p0 $0x100000, s1;
	[bflag:$0x2] =	sbarrier.arrive $0xFFFF  }
0x8d: {  	[sflag:s0] =	ssyncadd.tile.s32 @!p0 $0x1;
	_ =	shalt  }
.Lfunc_end2:
_tile_overlayer_lowered:
.L_overlay_start_2:
0x8e: {  	(tag) =	ssettag $0x2  }
0x8f: {  	s0 =	rddreg [dreg:$0x0];
	s2 =	stileid.u32  }
0x90: {  	s1 =	rddreg [dreg:$0x1];
	p0 =	sne.s32 s2, $0x0  }
0x91: {  	s3 =	rddreg [dreg:$0x2];
	[bflag:$0x3] =	sbarrier.arrive $0xFFFF;
	s2 =	simm.s32 @!p0 $0x1C05  }
0x92: {  	[timem:s3], [sflag:s2] =	dma.local @!p0 [hbm:s0], s1  }
0x93: {  	s0 =	simm.s32 @!p0 $0x5  }
0x94: {  	_ =	swait.ge @!p0 [sflag:s0], s1  }
0x95: {  	s1 =	ssub.s32 @!p0 $0x0, s1;
	[sflag:s0] =	ssyncset.done @!p0 $0x0  }
0x96: {  	[sflag:s0] =	ssyncadd.s32 @!p0 s1  }
0x97: {  	[bflag:$0x3] =	sbarrier.arrive $0xFFFF  }
0x98: {  	_ =	shalt  }

</sc_bundles>
